<compile_context>
chip_gen: v7x
topology: tpu7x:2x2x1
jax: 0.10.2.dev20260603
libtpu: 0.0.44.dev20260713+nightly
codegen_flags: <defaults>
</compile_context>

<pallas_src>
import functools

import jax
import jax.numpy as jnp
from jax import lax
from jax.experimental import pallas as pl
from jax.experimental.pallas import tpu as pltpu
from jax.experimental.pallas import tpu_sc as plsc

NC = 2
NS = 16
BLK = 128
DW = 16
DF = 128
CH = 8


def _deg_kernel_body(n_pad, bpw, dst_hbm, zeros_hbm, ones_hbm, out_hbm,
                     dstv, onesv, acc):
    c = lax.axis_index("c")
    s = lax.axis_index("s")
    rps = n_pad // NS
    pltpu.sync_copy(zeros_hbm, acc.at[pl.ds(s * rps, rps)])
    pltpu.sync_copy(ones_hbm, onesv)
    plsc.subcore_barrier()

    w = s * NC + c
    pltpu.sync_copy(dst_hbm.at[pl.ds(w * bpw, bpw)], dstv)

    def body(blk, _):
        pltpu.sync_copy(onesv, acc.at[dstv.at[blk]], add=True)
        return 0

    lax.fori_loop(0, bpw, body, 0)
    plsc.subcore_barrier()

    for core_id in range(NC):
        @pl.when(c == core_id)
        def _():
            pltpu.sync_copy(acc.at[pl.ds(s * rps, rps)],
                            out_hbm.at[core_id, pl.ds(s * rps, rps)])


def _hop_kernel_body(n_pad, bpw, g_hbm, src_hbm, dst_hbm,
                     zeros_hbm, out_hbm, srcv, dstv, rows, acc):
    c = lax.axis_index("c")
    s = lax.axis_index("s")
    rps = n_pad // NS
    sl = pl.ds(s * rps, rps)

    pltpu.sync_copy(zeros_hbm, acc.at[sl])
    plsc.subcore_barrier()

    w = s * NC + c

    def chunk(ch, _):
        base = w * bpw + ch * CH
        pltpu.sync_copy(src_hbm.at[pl.ds(base, CH)], srcv)
        pltpu.sync_copy(dst_hbm.at[pl.ds(base, CH)], dstv)

        def body(blk, _):
            pltpu.sync_copy(g_hbm.at[srcv.at[blk]], rows)
            pltpu.sync_copy(rows, acc.at[dstv.at[blk]], add=True)
            return 0

        lax.fori_loop(0, CH, body, 0)
        return 0

    lax.fori_loop(0, bpw // CH, chunk, 0)
    plsc.subcore_barrier()

    for core_id in range(NC):
        @pl.when(c == core_id)
        def _():
            pltpu.sync_copy(acc.at[sl], out_hbm.at[core_id, sl])


def _prep_body(parts_ref, x_ref, g_ref, dinv_ref, dinvv_ref):
    deg = jnp.maximum(parts_ref[0, :, 0:1] + parts_ref[1, :, 0:1], 1.0)
    dinv = lax.rsqrt(deg)
    g_ref[...] = x_ref[...] * dinv
    dinv_ref[...] = dinv
    dinvv_ref[...] = 1.0 / deg


def _scale_body(p_ref, s_ref, g_ref):
    g_ref[...] = (p_ref[0] + p_ref[1]) * s_ref[...]


def _final_body(n, p_ref, dinv_ref, w_ref, b_ref, o_ref):
    h = (p_ref[0, :n] + p_ref[1, :n]) * dinv_ref[:n]
    o_ref[...] = lax.dot_general(
        h, w_ref[...], (((1,), (1,)), ((), ())),
        preferred_element_type=jnp.float32,
        precision=lax.Precision.HIGHEST) + b_ref[...]


def kernel(x, edge_index, W, b):
    n, d = x.shape
    e = edge_index.shape[1]
    n_pad = ((n + 1279) // 1280) * 1280
    e_tot = e + n
    quant = NC * NS * BLK * 8
    e_pad = ((e_tot + quant - 1) // quant) * quant
    bpw = e_pad // (NC * NS * BLK)
    rps = n_pad // NS

    src = edge_index[0]
    dst = edge_index[1]
    loop = jnp.arange(n, dtype=jnp.int32)
    padv = jnp.full((e_pad - e_tot,), n, dtype=jnp.int32)
    src2d = jnp.concatenate([src, loop, padv]).reshape(e_pad // BLK, BLK)
    dst2d = jnp.concatenate([dst, loop, padv]).reshape(e_pad // BLK, BLK)
    x_pad = jnp.pad(x, ((0, n_pad - n), (0, 0)))
    zeros_hop = jnp.zeros((rps, DF), jnp.float32)
    zeros_deg = jnp.zeros((rps, DW), jnp.float32)
    ones_deg = jnp.ones((BLK, DW), jnp.float32)

    mesh = plsc.VectorSubcoreMesh(core_axis_name="c", subcore_axis_name="s")

    deg_call = pl.kernel(
        functools.partial(_deg_kernel_body, n_pad, bpw),
        out_type=jax.ShapeDtypeStruct((NC, n_pad, DW), jnp.float32),
        mesh=mesh,
        scratch_types=[
            pltpu.VMEM((bpw, BLK), jnp.int32),
            pltpu.VMEM((BLK, DW), jnp.float32),
            pltpu.VMEM_SHARED((n_pad, DW), jnp.float32),
        ],
    )

    hop_call = pl.kernel(
        functools.partial(_hop_kernel_body, n_pad, bpw),
        out_type=jax.ShapeDtypeStruct((NC, n_pad, DF), jnp.float32),
        mesh=mesh,
        scratch_types=[
            pltpu.VMEM((CH, BLK), jnp.int32),
            pltpu.VMEM((CH, BLK), jnp.int32),
            pltpu.VMEM((BLK, DF), jnp.float32),
            pltpu.VMEM_SHARED((n_pad, DF), jnp.float32),
        ],
    )

    prep_call = pl.pallas_call(
        _prep_body,
        out_shape=[
            jax.ShapeDtypeStruct((n_pad, DF), jnp.float32),
            jax.ShapeDtypeStruct((n_pad, 1), jnp.float32),
            jax.ShapeDtypeStruct((n_pad, 1), jnp.float32),
        ],
    )

    scale_call = pl.pallas_call(
        _scale_body,
        out_shape=jax.ShapeDtypeStruct((n_pad, DF), jnp.float32),
    )

    final_call = pl.pallas_call(
        functools.partial(_final_body, n),
        out_shape=jax.ShapeDtypeStruct((n, d), jnp.float32),
    )

    parts = deg_call(dst2d, zeros_deg, ones_deg)
    g, dinv, dinvv = prep_call(parts, x_pad)
    for k in range(3):
        p = hop_call(g, src2d, dst2d, zeros_hop)
        if k < 2:
            g = scale_call(p, dinvv)
    return final_call(p, dinv, W, b.reshape(1, d))

# --- scband reference (transcript-rebuilt; emitter-appended) ---
"""Pipeline reference for scband-sgc-16604343566786 (READ-ONLY COPY).

The authoritative reference and input builder live on the scoring server;
editing this copy changes nothing except your own understanding.
"""

import jax, jax.numpy as jnp
import numpy as np

HOPS = 3
N = 10000
E = 320000
D_IN = 128
D_OUT = 128


def setup_inputs(seed: int = 0) -> dict:
    key = jax.random.key(seed)
    k1, k2, k3 = jax.random.split(key, 3)
    x = jax.random.normal(k1, (N, D_IN), dtype=jnp.float32)
    edge_index = jax.random.randint(k2, (2, E), 0, N, dtype=jnp.int32)
    # SGConv's internal Linear(in_channels, out_channels): weight [out, in], bias [out]
    bound = 1.0 / np.sqrt(D_IN)
    W = jax.random.uniform(k3, (D_OUT, D_IN), dtype=jnp.float32, minval=-bound, maxval=bound)
    b = jnp.zeros((D_OUT,), dtype=jnp.float32)
    return {"x": x, "edge_index": edge_index, "W": W, "b": b}


def reference(x, edge_index, W, b):
    # SGConv: y = (D^{-1/2} (A + I) D^{-1/2})^K x W^T + b  (PyG gcn_norm with self-loops)
    n = x.shape[0]
    loop = jnp.arange(n, dtype=edge_index.dtype)
    src = jnp.concatenate([edge_index[0], loop])
    dst = jnp.concatenate([edge_index[1], loop])
    ew = jnp.ones(src.shape[0], dtype=x.dtype)
    deg = jax.ops.segment_sum(ew, dst, num_segments=n)
    deg_inv_sqrt = jnp.where(deg > 0, jax.lax.rsqrt(jnp.maximum(deg, 1e-12)), 0.0)
    norm = deg_inv_sqrt[src] * ew * deg_inv_sqrt[dst]
    h = x
    for _ in range(HOPS):
        h = jax.ops.segment_sum(h[src] * norm[:, None], dst, num_segments=n)
    return h @ W.T + b

if __name__ == "__main__":
    import jax
    _d = setup_inputs()
    print(jax.jit(kernel)(*tuple(_d.values())))

</pallas_src>

<mosaic_0001>
#map = affine_map<(d0, d1) -> (0, 0)>
#map1 = affine_map<(d0, d1) -> (0, 0, 0)>
module attributes {stable_mosaic.version = 14 : i64} {
  func.func @_hop_kernel_body(%arg0: i32, %arg1: i32, %arg2: memref<10240x128xf32, #tpu.memory_space<hbm>>, %arg3: memref<2816x128xi32, #tpu.memory_space<hbm>>, %arg4: memref<2816x128xi32, #tpu.memory_space<hbm>>, %arg5: memref<640x128xf32, #tpu.memory_space<hbm>>, %arg6: memref<2x10240x128xf32, #tpu.memory_space<hbm>>, %arg7: memref<8x128xi32, #tpu.memory_space<vmem>>, %arg8: memref<8x128xi32, #tpu.memory_space<vmem>>, %arg9: memref<128x128xf32, #tpu.memory_space<vmem>>, %arg10: memref<10240x128xf32, #tpu.memory_space<vmem_shared>>) attributes {dimension_semantics = [#tpu.dimension_semantics<core_parallel>, #tpu.dimension_semantics<subcore_parallel>], iteration_bounds = array<i64: 2, 16>, scalar_prefetch = 0 : i64, scratch_operands = 4 : i64, tpu.core_type = #tpu.core_type<sc_vector_subcore>, window_params = [{transform_indices = #map}, {transform_indices = #map}, {transform_indices = #map}, {transform_indices = #map}, {transform_indices = #map1}]} {
    %mul3A = arith.constant 640 : i32
    %mul3A_0 = arith.muli %arg1, %mul3A : i32
    "tpu.region"() ({
      %run_scoped3A = tpu.sem_alloc : memref<!tpu.dma_semaphore, #tpu.memory_space<semaphore_mem>>
      %dma_start3A = arith.constant 0 : i32
      %dma_start3A_17 = tpu.memref_slice %arg10[%mul3A_0, %dma_start3A] : memref<10240x128xf32, #tpu.memory_space<vmem_shared>> -> memref<640x128xf32, #tpu.memory_space<vmem_shared>>
      tpu.enqueue_dma source(%arg5 : memref<640x128xf32, #tpu.memory_space<hbm>>) target(%dma_start3A_17 : memref<640x128xf32, #tpu.memory_space<vmem_shared>>) target_semaphore(%run_scoped3A : memref<!tpu.dma_semaphore, #tpu.memory_space<semaphore_mem>>)
      %dma_wait3A = arith.constant 0 : i32
      %dma_wait3A_18 = tpu.memref_slice %arg10[%mul3A_0, %dma_wait3A] : memref<10240x128xf32, #tpu.memory_space<vmem_shared>> -> memref<640x128xf32, #tpu.memory_space<vmem_shared>>
      tpu.wait_dma2 semaphore(%run_scoped3A : memref<!tpu.dma_semaphore, #tpu.memory_space<semaphore_mem>>) src(%arg5 : memref<640x128xf32, #tpu.memory_space<hbm>>) dst(%dma_wait3A_18 : memref<640x128xf32, #tpu.memory_space<vmem_shared>>)
      tpu.yield
    }) : () -> ()
    %barrier3A = arith.constant 0 : index
    tpu.barrier barrier_id(%barrier3A)
    %mul3A_1 = arith.constant 2 : i32
    %mul3A_2 = arith.muli %arg1, %mul3A_1 : i32
    %add3A = arith.addi %mul3A_2, %arg0 : i32
    %scan3A = arith.constant 0 : i32
    %scan3A_3 = arith.constant 0 : i32
    %scan3A_4 = arith.constant 11 : i32
    %scan3A_5 = arith.addi %scan3A_3, %scan3A_4 : i32
    %scan3A_6 = arith.constant 1 : i32
    %scan3A_7 = scf.for %scan3A_17 = %scan3A_3 to %scan3A_5 step %scan3A_6 iter_args(%scan3A_18 = %scan3A) -> (i32)  : i32 {
      %mul3A_19 = arith.constant 88 : i32
      %mul3A_20 = arith.muli %add3A, %mul3A_19 : i32
      %mul3A_21 = arith.constant 8 : i32
      %mul3A_22 = arith.muli %scan3A_17, %mul3A_21 : i32
      %add3A_23 = arith.addi %mul3A_20, %mul3A_22 : i32
      "tpu.region"() ({
        %run_scoped3A = tpu.sem_alloc : memref<!tpu.dma_semaphore, #tpu.memory_space<semaphore_mem>>
        %dma_start3A = arith.constant 0 : i32
        %dma_start3A_32 = tpu.memref_slice %arg3[%add3A_23, %dma_start3A] : memref<2816x128xi32, #tpu.memory_space<hbm>> -> memref<8x128xi32, #tpu.memory_space<hbm>>
        %dma_start3A_33 = arith.constant 0 : i32
        %dma_start3A_34 = tpu.memref_slice %arg3[%add3A_23, %dma_start3A_33] : memref<2816x128xi32, #tpu.memory_space<hbm>> -> memref<8x128xi32, #tpu.memory_space<hbm>>
        tpu.enqueue_dma source(%dma_start3A_34 : memref<8x128xi32, #tpu.memory_space<hbm>>) target(%arg7 : memref<8x128xi32, #tpu.memory_space<vmem>>) target_semaphore(%run_scoped3A : memref<!tpu.dma_semaphore, #tpu.memory_space<semaphore_mem>>)
        %dma_wait3A = arith.constant 0 : i32
        %dma_wait3A_35 = tpu.memref_slice %arg3[%add3A_23, %dma_wait3A] : memref<2816x128xi32, #tpu.memory_space<hbm>> -> memref<8x128xi32, #tpu.memory_space<hbm>>
        %dma_wait3A_36 = arith.constant 0 : i32
        %dma_wait3A_37 = tpu.memref_slice %arg3[%add3A_23, %dma_wait3A_36] : memref<2816x128xi32, #tpu.memory_space<hbm>> -> memref<8x128xi32, #tpu.memory_space<hbm>>
        tpu.wait_dma2 semaphore(%run_scoped3A : memref<!tpu.dma_semaphore, #tpu.memory_space<semaphore_mem>>) src(%dma_wait3A_37 : memref<8x128xi32, #tpu.memory_space<hbm>>) dst(%arg7 : memref<8x128xi32, #tpu.memory_space<vmem>>)
        tpu.yield
      }) : () -> ()
      "tpu.region"() ({
        %run_scoped3A = tpu.sem_alloc : memref<!tpu.dma_semaphore, #tpu.memory_space<semaphore_mem>>
        %dma_start3A = arith.constant 0 : i32
        %dma_start3A_32 = tpu.memref_slice %arg4[%add3A_23, %dma_start3A] : memref<2816x128xi32, #tpu.memory_space<hbm>> -> memref<8x128xi32, #tpu.memory_space<hbm>>
        %dma_start3A_33 = arith.constant 0 : i32
        %dma_start3A_34 = tpu.memref_slice %arg4[%add3A_23, %dma_start3A_33] : memref<2816x128xi32, #tpu.memory_space<hbm>> -> memref<8x128xi32, #tpu.memory_space<hbm>>
        tpu.enqueue_dma source(%dma_start3A_34 : memref<8x128xi32, #tpu.memory_space<hbm>>) target(%arg8 : memref<8x128xi32, #tpu.memory_space<vmem>>) target_semaphore(%run_scoped3A : memref<!tpu.dma_semaphore, #tpu.memory_space<semaphore_mem>>)
        %dma_wait3A = arith.constant 0 : i32
        %dma_wait3A_35 = tpu.memref_slice %arg4[%add3A_23, %dma_wait3A] : memref<2816x128xi32, #tpu.memory_space<hbm>> -> memref<8x128xi32, #tpu.memory_space<hbm>>
        %dma_wait3A_36 = arith.constant 0 : i32
        %dma_wait3A_37 = tpu.memref_slice %arg4[%add3A_23, %dma_wait3A_36] : memref<2816x128xi32, #tpu.memory_space<hbm>> -> memref<8x128xi32, #tpu.memory_space<hbm>>
        tpu.wait_dma2 semaphore(%run_scoped3A : memref<!tpu.dma_semaphore, #tpu.memory_space<semaphore_mem>>) src(%dma_wait3A_37 : memref<8x128xi32, #tpu.memory_space<hbm>>) dst(%arg8 : memref<8x128xi32, #tpu.memory_space<vmem>>)
        tpu.yield
      }) : () -> ()
      %scan3A_24 = arith.constant 0 : i32
      %scan3A_25 = arith.constant 0 : i32
      %scan3A_26 = arith.constant 8 : i32
      %scan3A_27 = arith.addi %scan3A_25, %scan3A_26 : i32
      %scan3A_28 = arith.constant 1 : i32
      %scan3A_29 = scf.for %scan3A_32 = %scan3A_25 to %scan3A_27 step %scan3A_28 iter_args(%scan3A_33 = %scan3A_24) -> (i32)  : i32 {
        "tpu.region"() ({
          %run_scoped3A = tpu.sem_alloc : memref<!tpu.dma_semaphore, #tpu.memory_space<semaphore_mem>>
          %dma_start3A = arith.constant 0 : i32
          %dma_start3A_35 = tpu.memref_slice %arg7[%scan3A_32, %dma_start3A] : memref<8x128xi32, #tpu.memory_space<vmem>> -> memref<1x128xi32, #tpu.memory_space<vmem>>
          %dma_start3A_36 = tpu.memref_squeeze %dma_start3A_35 : memref<1x128xi32, #tpu.memory_space<vmem>> -> memref<128xi32, #tpu.memory_space<vmem>>
          %dma_start3A_37 = arith.constant 0 : i32
          %dma_start3A_38 = arith.constant 0 : i32
          %dma_start3A_39 = tpu.memref_slice %arg2[%dma_start3A_37, %dma_start3A_38] : memref<10240x128xf32, #tpu.memory_space<hbm>> -> memref<10240x128xf32, #tpu.memory_space<hbm>>
          tpu.enqueue_indirect_dma source(%dma_start3A_39 : memref<10240x128xf32, #tpu.memory_space<hbm>>) target(%arg9 : memref<128x128xf32, #tpu.memory_space<vmem>>) offsets(%dma_start3A_36 : memref<128xi32, #tpu.memory_space<vmem>>) semaphore(%run_scoped3A : memref<!tpu.dma_semaphore, #tpu.memory_space<semaphore_mem>>)
          %dma_wait3A = arith.constant 0 : i32
          %dma_wait3A_40 = tpu.memref_slice %arg7[%scan3A_32, %dma_wait3A] : memref<8x128xi32, #tpu.memory_space<vmem>> -> memref<1x128xi32, #tpu.memory_space<vmem>>
          %dma_wait3A_41 = tpu.memref_squeeze %dma_wait3A_40 : memref<1x128xi32, #tpu.memory_space<vmem>> -> memref<128xi32, #tpu.memory_space<vmem>>
          %dma_wait3A_42 = arith.constant 0 : i32
          %dma_wait3A_43 = arith.constant 0 : i32
          %dma_wait3A_44 = tpu.memref_slice %arg2[%dma_wait3A_42, %dma_wait3A_43] : memref<10240x128xf32, #tpu.memory_space<hbm>> -> memref<10240x128xf32, #tpu.memory_space<hbm>>
          tpu.wait_indirect_dma semaphore(%run_scoped3A : memref<!tpu.dma_semaphore, #tpu.memory_space<semaphore_mem>>) src(%dma_wait3A_44 : memref<10240x128xf32, #tpu.memory_space<hbm>>) dst(%arg9 : memref<128x128xf32, #tpu.memory_space<vmem>>)
          tpu.yield
        }) : () -> ()
        "tpu.region"() ({
          %run_scoped3A = tpu.sem_alloc : memref<!tpu.dma_semaphore, #tpu.memory_space<semaphore_mem>>
          %dma_start3A = arith.constant 0 : i32
          %dma_start3A_35 = tpu.memref_slice %arg8[%scan3A_32, %dma_start3A] : memref<8x128xi32, #tpu.memory_space<vmem>> -> memref<1x128xi32, #tpu.memory_space<vmem>>
          %dma_start3A_36 = tpu.memref_squeeze %dma_start3A_35 : memref<1x128xi32, #tpu.memory_space<vmem>> -> memref<128xi32, #tpu.memory_space<vmem>>
          %dma_start3A_37 = arith.constant 0 : i32
          %dma_start3A_38 = arith.constant 0 : i32
          %dma_start3A_39 = tpu.memref_slice %arg10[%dma_start3A_37, %dma_start3A_38] : memref<10240x128xf32, #tpu.memory_space<vmem_shared>> -> memref<10240x128xf32, #tpu.memory_space<vmem_shared>>
          tpu.enqueue_indirect_dma source(%arg9 : memref<128x128xf32, #tpu.memory_space<vmem>>) target(%dma_start3A_39 : memref<10240x128xf32, #tpu.memory_space<vmem_shared>>) offsets(%dma_start3A_36 : memref<128xi32, #tpu.memory_space<vmem>>) semaphore(%run_scoped3A : memref<!tpu.dma_semaphore, #tpu.memory_space<semaphore_mem>>) {add = true}
          %dma_wait3A = arith.constant 0 : i32
          %dma_wait3A_40 = tpu.memref_slice %arg8[%scan3A_32, %dma_wait3A] : memref<8x128xi32, #tpu.memory_space<vmem>> -> memref<1x128xi32, #tpu.memory_space<vmem>>
          %dma_wait3A_41 = tpu.memref_squeeze %dma_wait3A_40 : memref<1x128xi32, #tpu.memory_space<vmem>> -> memref<128xi32, #tpu.memory_space<vmem>>
          %dma_wait3A_42 = arith.constant 0 : i32
          %dma_wait3A_43 = arith.constant 0 : i32
          %dma_wait3A_44 = tpu.memref_slice %arg10[%dma_wait3A_42, %dma_wait3A_43] : memref<10240x128xf32, #tpu.memory_space<vmem_shared>> -> memref<10240x128xf32, #tpu.memory_space<vmem_shared>>
          tpu.wait_indirect_dma semaphore(%run_scoped3A : memref<!tpu.dma_semaphore, #tpu.memory_space<semaphore_mem>>) src(%arg9 : memref<128x128xf32, #tpu.memory_space<vmem>>) dst(%dma_wait3A_44 : memref<10240x128xf32, #tpu.memory_space<vmem_shared>>)
          tpu.yield
        }) : () -> ()
        %scan3A_34 = arith.constant 0 : i32
        scf.yield %scan3A_34 : i32
      }
      %scan3A_30 = arith.constant 8 : i32
      %scan3A_31 = arith.constant 0 : i32
      scf.yield %scan3A_31 : i32
    }
    %scan3A_8 = arith.constant 11 : i32
    %barrier3A_9 = arith.constant 0 : index
    tpu.barrier barrier_id(%barrier3A_9)
    %eq3A = arith.constant 0 : i32
    %eq3A_10 = arith.cmpi eq, %arg0, %eq3A : i32
    %convert_element_type3A = arith.extui %eq3A_10 : i1 to i32
    %cond3A = arith.constant 0 : i32
    %cond3A_11 = arith.cmpi ne, %convert_element_type3A, %cond3A : i32
    scf.if %cond3A_11 {
      %run_scoped3A = arith.constant 0 : i32
      "tpu.region"() ({
        %run_scoped3A_17 = tpu.sem_alloc : memref<!tpu.dma_semaphore, #tpu.memory_space<semaphore_mem>>
        %dma_start3A = arith.constant 0 : i32
        %dma_start3A_18 = tpu.memref_slice %arg6[%run_scoped3A, %mul3A_0, %dma_start3A] : memref<2x10240x128xf32, #tpu.memory_space<hbm>> -> memref<1x640x128xf32, #tpu.memory_space<hbm>>
        %dma_start3A_19 = tpu.memref_squeeze %dma_start3A_18 : memref<1x640x128xf32, #tpu.memory_space<hbm>> -> memref<640x128xf32, #tpu.memory_space<hbm>>
        %dma_start3A_20 = arith.constant 0 : i32
        %dma_start3A_21 = tpu.memref_slice %arg10[%mul3A_0, %dma_start3A_20] : memref<10240x128xf32, #tpu.memory_space<vmem_shared>> -> memref<640x128xf32, #tpu.memory_space<vmem_shared>>
        tpu.enqueue_dma source(%dma_start3A_21 : memref<640x128xf32, #tpu.memory_space<vmem_shared>>) target(%dma_start3A_19 : memref<640x128xf32, #tpu.memory_space<hbm>>) target_semaphore(%run_scoped3A_17 : memref<!tpu.dma_semaphore, #tpu.memory_space<semaphore_mem>>)
        %dma_wait3A = arith.constant 0 : i32
        %dma_wait3A_22 = tpu.memref_slice %arg6[%run_scoped3A, %mul3A_0, %dma_wait3A] : memref<2x10240x128xf32, #tpu.memory_space<hbm>> -> memref<1x640x128xf32, #tpu.memory_space<hbm>>
        %dma_wait3A_23 = tpu.memref_squeeze %dma_wait3A_22 : memref<1x640x128xf32, #tpu.memory_space<hbm>> -> memref<640x128xf32, #tpu.memory_space<hbm>>
        %dma_wait3A_24 = arith.constant 0 : i32
        %dma_wait3A_25 = tpu.memref_slice %arg10[%mul3A_0, %dma_wait3A_24] : memref<10240x128xf32, #tpu.memory_space<vmem_shared>> -> memref<640x128xf32, #tpu.memory_space<vmem_shared>>
        tpu.wait_dma2 semaphore(%run_scoped3A_17 : memref<!tpu.dma_semaphore, #tpu.memory_space<semaphore_mem>>) src(%dma_wait3A_25 : memref<640x128xf32, #tpu.memory_space<vmem_shared>>) dst(%dma_wait3A_23 : memref<640x128xf32, #tpu.memory_space<hbm>>)
        tpu.yield
      }) : () -> ()
    } else {
    }
    %eq3A_12 = arith.constant 1 : i32
    %eq3A_13 = arith.cmpi eq, %arg0, %eq3A_12 : i32
    %convert_element_type3A_14 = arith.extui %eq3A_13 : i1 to i32
    %cond3A_15 = arith.constant 0 : i32
    %cond3A_16 = arith.cmpi ne, %convert_element_type3A_14, %cond3A_15 : i32
    scf.if %cond3A_16 {
      %run_scoped3A = arith.constant 1 : i32
      "tpu.region"() ({
        %run_scoped3A_17 = tpu.sem_alloc : memref<!tpu.dma_semaphore, #tpu.memory_space<semaphore_mem>>
        %dma_start3A = arith.constant 0 : i32
        %dma_start3A_18 = tpu.memref_slice %arg6[%run_scoped3A, %mul3A_0, %dma_start3A] : memref<2x10240x128xf32, #tpu.memory_space<hbm>> -> memref<1x640x128xf32, #tpu.memory_space<hbm>>
        %dma_start3A_19 = tpu.memref_squeeze %dma_start3A_18 : memref<1x640x128xf32, #tpu.memory_space<hbm>> -> memref<640x128xf32, #tpu.memory_space<hbm>>
        %dma_start3A_20 = arith.constant 0 : i32
        %dma_start3A_21 = tpu.memref_slice %arg10[%mul3A_0, %dma_start3A_20] : memref<10240x128xf32, #tpu.memory_space<vmem_shared>> -> memref<640x128xf32, #tpu.memory_space<vmem_shared>>
        tpu.enqueue_dma source(%dma_start3A_21 : memref<640x128xf32, #tpu.memory_space<vmem_shared>>) target(%dma_start3A_19 : memref<640x128xf32, #tpu.memory_space<hbm>>) target_semaphore(%run_scoped3A_17 : memref<!tpu.dma_semaphore, #tpu.memory_space<semaphore_mem>>)
        %dma_wait3A = arith.constant 0 : i32
        %dma_wait3A_22 = tpu.memref_slice %arg6[%run_scoped3A, %mul3A_0, %dma_wait3A] : memref<2x10240x128xf32, #tpu.memory_space<hbm>> -> memref<1x640x128xf32, #tpu.memory_space<hbm>>
        %dma_wait3A_23 = tpu.memref_squeeze %dma_wait3A_22 : memref<1x640x128xf32, #tpu.memory_space<hbm>> -> memref<640x128xf32, #tpu.memory_space<hbm>>
        %dma_wait3A_24 = arith.constant 0 : i32
        %dma_wait3A_25 = tpu.memref_slice %arg10[%mul3A_0, %dma_wait3A_24] : memref<10240x128xf32, #tpu.memory_space<vmem_shared>> -> memref<640x128xf32, #tpu.memory_space<vmem_shared>>
        tpu.wait_dma2 semaphore(%run_scoped3A_17 : memref<!tpu.dma_semaphore, #tpu.memory_space<semaphore_mem>>) src(%dma_wait3A_25 : memref<640x128xf32, #tpu.memory_space<vmem_shared>>) dst(%dma_wait3A_23 : memref<640x128xf32, #tpu.memory_space<hbm>>)
        tpu.yield
      }) : () -> ()
    } else {
    }
    return
  }
}

#map = affine_map<(d0, d1) -> (0, 0)>
#map1 = affine_map<(d0, d1) -> (0, 0, 0)>
module attributes {stable_mosaic.version = 14 : i64} {
  func.func @_deg_kernel_body(%arg0: i32, %arg1: i32, %arg2: memref<2816x128xi32, #tpu.memory_space<hbm>>, %arg3: memref<640x16xf32, #tpu.memory_space<hbm>>, %arg4: memref<128x16xf32, #tpu.memory_space<hbm>>, %arg5: memref<2x10240x16xf32, #tpu.memory_space<hbm>>, %arg6: memref<88x128xi32, #tpu.memory_space<vmem>>, %arg7: memref<128x16xf32, #tpu.memory_space<vmem>>, %arg8: memref<10240x16xf32, #tpu.memory_space<vmem_shared>>) attributes {dimension_semantics = [#tpu.dimension_semantics<core_parallel>, #tpu.dimension_semantics<subcore_parallel>], iteration_bounds = array<i64: 2, 16>, scalar_prefetch = 0 : i64, scratch_operands = 3 : i64, tpu.core_type = #tpu.core_type<sc_vector_subcore>, window_params = [{transform_indices = #map}, {transform_indices = #map}, {transform_indices = #map}, {transform_indices = #map1}]} {
    %mul3A = arith.constant 640 : i32
    %mul3A_0 = arith.muli %arg1, %mul3A : i32
    "tpu.region"() ({
      %run_scoped3A = tpu.sem_alloc : memref<!tpu.dma_semaphore, #tpu.memory_space<semaphore_mem>>
      %dma_start3A = arith.constant 0 : i32
      %dma_start3A_19 = tpu.memref_slice %arg8[%mul3A_0, %dma_start3A] : memref<10240x16xf32, #tpu.memory_space<vmem_shared>> -> memref<640x16xf32, #tpu.memory_space<vmem_shared>>
      tpu.enqueue_dma source(%arg3 : memref<640x16xf32, #tpu.memory_space<hbm>>) target(%dma_start3A_19 : memref<640x16xf32, #tpu.memory_space<vmem_shared>>) target_semaphore(%run_scoped3A : memref<!tpu.dma_semaphore, #tpu.memory_space<semaphore_mem>>)
      %dma_wait3A = arith.constant 0 : i32
      %dma_wait3A_20 = tpu.memref_slice %arg8[%mul3A_0, %dma_wait3A] : memref<10240x16xf32, #tpu.memory_space<vmem_shared>> -> memref<640x16xf32, #tpu.memory_space<vmem_shared>>
      tpu.wait_dma2 semaphore(%run_scoped3A : memref<!tpu.dma_semaphore, #tpu.memory_space<semaphore_mem>>) src(%arg3 : memref<640x16xf32, #tpu.memory_space<hbm>>) dst(%dma_wait3A_20 : memref<640x16xf32, #tpu.memory_space<vmem_shared>>)
      tpu.yield
    }) : () -> ()
    "tpu.region"() ({
      %run_scoped3A = tpu.sem_alloc : memref<!tpu.dma_semaphore, #tpu.memory_space<semaphore_mem>>
      tpu.enqueue_dma source(%arg4 : memref<128x16xf32, #tpu.memory_space<hbm>>) target(%arg7 : memref<128x16xf32, #tpu.memory_space<vmem>>) target_semaphore(%run_scoped3A : memref<!tpu.dma_semaphore, #tpu.memory_space<semaphore_mem>>)
      tpu.wait_dma2 semaphore(%run_scoped3A : memref<!tpu.dma_semaphore, #tpu.memory_space<semaphore_mem>>) src(%arg4 : memref<128x16xf32, #tpu.memory_space<hbm>>) dst(%arg7 : memref<128x16xf32, #tpu.memory_space<vmem>>)
      tpu.yield
    }) : () -> ()
    %barrier3A = arith.constant 0 : index
    tpu.barrier barrier_id(%barrier3A)
    %mul3A_1 = arith.constant 2 : i32
    %mul3A_2 = arith.muli %arg1, %mul3A_1 : i32
    %add3A = arith.addi %mul3A_2, %arg0 : i32
    %mul3A_3 = arith.constant 88 : i32
    %mul3A_4 = arith.muli %add3A, %mul3A_3 : i32
    "tpu.region"() ({
      %run_scoped3A = tpu.sem_alloc : memref<!tpu.dma_semaphore, #tpu.memory_space<semaphore_mem>>
      %dma_start3A = arith.constant 0 : i32
      %dma_start3A_19 = tpu.memref_slice %arg2[%mul3A_4, %dma_start3A] : memref<2816x128xi32, #tpu.memory_space<hbm>> -> memref<88x128xi32, #tpu.memory_space<hbm>>
      %dma_start3A_20 = arith.constant 0 : i32
      %dma_start3A_21 = tpu.memref_slice %arg2[%mul3A_4, %dma_start3A_20] : memref<2816x128xi32, #tpu.memory_space<hbm>> -> memref<88x128xi32, #tpu.memory_space<hbm>>
      tpu.enqueue_dma source(%dma_start3A_21 : memref<88x128xi32, #tpu.memory_space<hbm>>) target(%arg6 : memref<88x128xi32, #tpu.memory_space<vmem>>) target_semaphore(%run_scoped3A : memref<!tpu.dma_semaphore, #tpu.memory_space<semaphore_mem>>)
      %dma_wait3A = arith.constant 0 : i32
      %dma_wait3A_22 = tpu.memref_slice %arg2[%mul3A_4, %dma_wait3A] : memref<2816x128xi32, #tpu.memory_space<hbm>> -> memref<88x128xi32, #tpu.memory_space<hbm>>
      %dma_wait3A_23 = arith.constant 0 : i32
      %dma_wait3A_24 = tpu.memref_slice %arg2[%mul3A_4, %dma_wait3A_23] : memref<2816x128xi32, #tpu.memory_space<hbm>> -> memref<88x128xi32, #tpu.memory_space<hbm>>
      tpu.wait_dma2 semaphore(%run_scoped3A : memref<!tpu.dma_semaphore, #tpu.memory_space<semaphore_mem>>) src(%dma_wait3A_24 : memref<88x128xi32, #tpu.memory_space<hbm>>) dst(%arg6 : memref<88x128xi32, #tpu.memory_space<vmem>>)
      tpu.yield
    }) : () -> ()
    %scan3A = arith.constant 0 : i32
    %scan3A_5 = arith.constant 0 : i32
    %scan3A_6 = arith.constant 88 : i32
    %scan3A_7 = arith.addi %scan3A_5, %scan3A_6 : i32
    %scan3A_8 = arith.constant 1 : i32
    %scan3A_9 = scf.for %scan3A_19 = %scan3A_5 to %scan3A_7 step %scan3A_8 iter_args(%scan3A_20 = %scan3A) -> (i32)  : i32 {
      "tpu.region"() ({
        %run_scoped3A = tpu.sem_alloc : memref<!tpu.dma_semaphore, #tpu.memory_space<semaphore_mem>>
        %dma_start3A = arith.constant 0 : i32
        %dma_start3A_22 = tpu.memref_slice %arg6[%scan3A_19, %dma_start3A] : memref<88x128xi32, #tpu.memory_space<vmem>> -> memref<1x128xi32, #tpu.memory_space<vmem>>
        %dma_start3A_23 = tpu.memref_squeeze %dma_start3A_22 : memref<1x128xi32, #tpu.memory_space<vmem>> -> memref<128xi32, #tpu.memory_space<vmem>>
        %dma_start3A_24 = arith.constant 0 : i32
        %dma_start3A_25 = arith.constant 0 : i32
        %dma_start3A_26 = tpu.memref_slice %arg8[%dma_start3A_24, %dma_start3A_25] : memref<10240x16xf32, #tpu.memory_space<vmem_shared>> -> memref<10240x16xf32, #tpu.memory_space<vmem_shared>>
        tpu.enqueue_indirect_dma source(%arg7 : memref<128x16xf32, #tpu.memory_space<vmem>>) target(%dma_start3A_26 : memref<10240x16xf32, #tpu.memory_space<vmem_shared>>) offsets(%dma_start3A_23 : memref<128xi32, #tpu.memory_space<vmem>>) semaphore(%run_scoped3A : memref<!tpu.dma_semaphore, #tpu.memory_space<semaphore_mem>>) {add = true}
        %dma_wait3A = arith.constant 0 : i32
        %dma_wait3A_27 = tpu.memref_slice %arg6[%scan3A_19, %dma_wait3A] : memref<88x128xi32, #tpu.memory_space<vmem>> -> memref<1x128xi32, #tpu.memory_space<vmem>>
        %dma_wait3A_28 = tpu.memref_squeeze %dma_wait3A_27 : memref<1x128xi32, #tpu.memory_space<vmem>> -> memref<128xi32, #tpu.memory_space<vmem>>
        %dma_wait3A_29 = arith.constant 0 : i32
        %dma_wait3A_30 = arith.constant 0 : i32
        %dma_wait3A_31 = tpu.memref_slice %arg8[%dma_wait3A_29, %dma_wait3A_30] : memref<10240x16xf32, #tpu.memory_space<vmem_shared>> -> memref<10240x16xf32, #tpu.memory_space<vmem_shared>>
        tpu.wait_indirect_dma semaphore(%run_scoped3A : memref<!tpu.dma_semaphore, #tpu.memory_space<semaphore_mem>>) src(%arg7 : memref<128x16xf32, #tpu.memory_space<vmem>>) dst(%dma_wait3A_31 : memref<10240x16xf32, #tpu.memory_space<vmem_shared>>)
        tpu.yield
      }) : () -> ()
      %scan3A_21 = arith.constant 0 : i32
      scf.yield %scan3A_21 : i32
    }
    %scan3A_10 = arith.constant 88 : i32
    %barrier3A_11 = arith.constant 0 : index
    tpu.barrier barrier_id(%barrier3A_11)
    %eq3A = arith.constant 0 : i32
    %eq3A_12 = arith.cmpi eq, %arg0, %eq3A : i32
    %convert_element_type3A = arith.extui %eq3A_12 : i1 to i32
    %cond3A = arith.constant 0 : i32
    %cond3A_13 = arith.cmpi ne, %convert_element_type3A, %cond3A : i32
    scf.if %cond3A_13 {
      %mul3A_19 = arith.constant 640 : i32
      %mul3A_20 = arith.muli %arg1, %mul3A_19 : i32
      %mul3A_21 = arith.constant 640 : i32
      %mul3A_22 = arith.muli %arg1, %mul3A_21 : i32
      %run_scoped3A = arith.constant 0 : i32
      "tpu.region"() ({
        %run_scoped3A_23 = tpu.sem_alloc : memref<!tpu.dma_semaphore, #tpu.memory_space<semaphore_mem>>
        %dma_start3A = arith.constant 0 : i32
        %dma_start3A_24 = tpu.memref_slice %arg5[%run_scoped3A, %mul3A_22, %dma_start3A] : memref<2x10240x16xf32, #tpu.memory_space<hbm>> -> memref<1x640x16xf32, #tpu.memory_space<hbm>>
        %dma_start3A_25 = tpu.memref_squeeze %dma_start3A_24 : memref<1x640x16xf32, #tpu.memory_space<hbm>> -> memref<640x16xf32, #tpu.memory_space<hbm>>
        %dma_start3A_26 = arith.constant 0 : i32
        %dma_start3A_27 = tpu.memref_slice %arg8[%mul3A_20, %dma_start3A_26] : memref<10240x16xf32, #tpu.memory_space<vmem_shared>> -> memref<640x16xf32, #tpu.memory_space<vmem_shared>>
        tpu.enqueue_dma source(%dma_start3A_27 : memref<640x16xf32, #tpu.memory_space<vmem_shared>>) target(%dma_start3A_25 : memref<640x16xf32, #tpu.memory_space<hbm>>) target_semaphore(%run_scoped3A_23 : memref<!tpu.dma_semaphore, #tpu.memory_space<semaphore_mem>>)
        %dma_wait3A = arith.constant 0 : i32
        %dma_wait3A_28 = tpu.memref_slice %arg5[%run_scoped3A, %mul3A_22, %dma_wait3A] : memref<2x10240x16xf32, #tpu.memory_space<hbm>> -> memref<1x640x16xf32, #tpu.memory_space<hbm>>
        %dma_wait3A_29 = tpu.memref_squeeze %dma_wait3A_28 : memref<1x640x16xf32, #tpu.memory_space<hbm>> -> memref<640x16xf32, #tpu.memory_space<hbm>>
        %dma_wait3A_30 = arith.constant 0 : i32
        %dma_wait3A_31 = tpu.memref_slice %arg8[%mul3A_20, %dma_wait3A_30] : memref<10240x16xf32, #tpu.memory_space<vmem_shared>> -> memref<640x16xf32, #tpu.memory_space<vmem_shared>>
        tpu.wait_dma2 semaphore(%run_scoped3A_23 : memref<!tpu.dma_semaphore, #tpu.memory_space<semaphore_mem>>) src(%dma_wait3A_31 : memref<640x16xf32, #tpu.memory_space<vmem_shared>>) dst(%dma_wait3A_29 : memref<640x16xf32, #tpu.memory_space<hbm>>)
        tpu.yield
      }) : () -> ()
    } else {
    }
    %eq3A_14 = arith.constant 1 : i32
    %eq3A_15 = arith.cmpi eq, %arg0, %eq3A_14 : i32
    %convert_element_type3A_16 = arith.extui %eq3A_15 : i1 to i32
    %cond3A_17 = arith.constant 0 : i32
    %cond3A_18 = arith.cmpi ne, %convert_element_type3A_16, %cond3A_17 : i32
    scf.if %cond3A_18 {
      %mul3A_19 = arith.constant 640 : i32
      %mul3A_20 = arith.muli %arg1, %mul3A_19 : i32
      %mul3A_21 = arith.constant 640 : i32
      %mul3A_22 = arith.muli %arg1, %mul3A_21 : i32
      %run_scoped3A = arith.constant 1 : i32
      "tpu.region"() ({
        %run_scoped3A_23 = tpu.sem_alloc : memref<!tpu.dma_semaphore, #tpu.memory_space<semaphore_mem>>
        %dma_start3A = arith.constant 0 : i32
        %dma_start3A_24 = tpu.memref_slice %arg5[%run_scoped3A, %mul3A_22, %dma_start3A] : memref<2x10240x16xf32, #tpu.memory_space<hbm>> -> memref<1x640x16xf32, #tpu.memory_space<hbm>>
        %dma_start3A_25 = tpu.memref_squeeze %dma_start3A_24 : memref<1x640x16xf32, #tpu.memory_space<hbm>> -> memref<640x16xf32, #tpu.memory_space<hbm>>
        %dma_start3A_26 = arith.constant 0 : i32
        %dma_start3A_27 = tpu.memref_slice %arg8[%mul3A_20, %dma_start3A_26] : memref<10240x16xf32, #tpu.memory_space<vmem_shared>> -> memref<640x16xf32, #tpu.memory_space<vmem_shared>>
        tpu.enqueue_dma source(%dma_start3A_27 : memref<640x16xf32, #tpu.memory_space<vmem_shared>>) target(%dma_start3A_25 : memref<640x16xf32, #tpu.memory_space<hbm>>) target_semaphore(%run_scoped3A_23 : memref<!tpu.dma_semaphore, #tpu.memory_space<semaphore_mem>>)
        %dma_wait3A = arith.constant 0 : i32
        %dma_wait3A_28 = tpu.memref_slice %arg5[%run_scoped3A, %mul3A_22, %dma_wait3A] : memref<2x10240x16xf32, #tpu.memory_space<hbm>> -> memref<1x640x16xf32, #tpu.memory_space<hbm>>
        %dma_wait3A_29 = tpu.memref_squeeze %dma_wait3A_28 : memref<1x640x16xf32, #tpu.memory_space<hbm>> -> memref<640x16xf32, #tpu.memory_space<hbm>>
        %dma_wait3A_30 = arith.constant 0 : i32
        %dma_wait3A_31 = tpu.memref_slice %arg8[%mul3A_20, %dma_wait3A_30] : memref<10240x16xf32, #tpu.memory_space<vmem_shared>> -> memref<640x16xf32, #tpu.memory_space<vmem_shared>>
        tpu.wait_dma2 semaphore(%run_scoped3A_23 : memref<!tpu.dma_semaphore, #tpu.memory_space<semaphore_mem>>) src(%dma_wait3A_31 : memref<640x16xf32, #tpu.memory_space<vmem_shared>>) dst(%dma_wait3A_29 : memref<640x16xf32, #tpu.memory_space<hbm>>)
        tpu.yield
      }) : () -> ()
    } else {
    }
    return
  }
}

#map = affine_map<(d0, d1) -> (0, 0)>
#map1 = affine_map<(d0, d1) -> (0, 0, 0)>
module attributes {stable_mosaic.version = 14 : i64} {
  func.func @_hop_kernel_body(%arg0: i32, %arg1: i32, %arg2: memref<10240x128xf32, #tpu.memory_space<hbm>>, %arg3: memref<2816x128xi32, #tpu.memory_space<hbm>>, %arg4: memref<2816x128xi32, #tpu.memory_space<hbm>>, %arg5: memref<640x128xf32, #tpu.memory_space<hbm>>, %arg6: memref<2x10240x128xf32, #tpu.memory_space<hbm>>, %arg7: memref<8x128xi32, #tpu.memory_space<vmem>>, %arg8: memref<8x128xi32, #tpu.memory_space<vmem>>, %arg9: memref<128x128xf32, #tpu.memory_space<vmem>>, %arg10: memref<10240x128xf32, #tpu.memory_space<vmem_shared>>) attributes {dimension_semantics = [#tpu.dimension_semantics<core_parallel>, #tpu.dimension_semantics<subcore_parallel>], iteration_bounds = array<i64: 2, 16>, scalar_prefetch = 0 : i64, scratch_operands = 4 : i64, tpu.core_type = #tpu.core_type<sc_vector_subcore>, window_params = [{transform_indices = #map}, {transform_indices = #map}, {transform_indices = #map}, {transform_indices = #map}, {transform_indices = #map1}]} {
    %mul3A = arith.constant 640 : i32
    %mul3A_0 = arith.muli %arg1, %mul3A : i32
    "tpu.region"() ({
      %run_scoped3A = tpu.sem_alloc : memref<!tpu.dma_semaphore, #tpu.memory_space<semaphore_mem>>
      %dma_start3A = arith.constant 0 : i32
      %dma_start3A_17 = tpu.memref_slice %arg10[%mul3A_0, %dma_start3A] : memref<10240x128xf32, #tpu.memory_space<vmem_shared>> -> memref<640x128xf32, #tpu.memory_space<vmem_shared>>
      tpu.enqueue_dma source(%arg5 : memref<640x128xf32, #tpu.memory_space<hbm>>) target(%dma_start3A_17 : memref<640x128xf32, #tpu.memory_space<vmem_shared>>) target_semaphore(%run_scoped3A : memref<!tpu.dma_semaphore, #tpu.memory_space<semaphore_mem>>)
      %dma_wait3A = arith.constant 0 : i32
      %dma_wait3A_18 = tpu.memref_slice %arg10[%mul3A_0, %dma_wait3A] : memref<10240x128xf32, #tpu.memory_space<vmem_shared>> -> memref<640x128xf32, #tpu.memory_space<vmem_shared>>
      tpu.wait_dma2 semaphore(%run_scoped3A : memref<!tpu.dma_semaphore, #tpu.memory_space<semaphore_mem>>) src(%arg5 : memref<640x128xf32, #tpu.memory_space<hbm>>) dst(%dma_wait3A_18 : memref<640x128xf32, #tpu.memory_space<vmem_shared>>)
      tpu.yield
    }) : () -> ()
    %barrier3A = arith.constant 0 : index
    tpu.barrier barrier_id(%barrier3A)
    %mul3A_1 = arith.constant 2 : i32
    %mul3A_2 = arith.muli %arg1, %mul3A_1 : i32
    %add3A = arith.addi %mul3A_2, %arg0 : i32
    %scan3A = arith.constant 0 : i32
    %scan3A_3 = arith.constant 0 : i32
    %scan3A_4 = arith.constant 11 : i32
    %scan3A_5 = arith.addi %scan3A_3, %scan3A_4 : i32
    %scan3A_6 = arith.constant 1 : i32
    %scan3A_7 = scf.for %scan3A_17 = %scan3A_3 to %scan3A_5 step %scan3A_6 iter_args(%scan3A_18 = %scan3A) -> (i32)  : i32 {
      %mul3A_19 = arith.constant 88 : i32
      %mul3A_20 = arith.muli %add3A, %mul3A_19 : i32
      %mul3A_21 = arith.constant 8 : i32
      %mul3A_22 = arith.muli %scan3A_17, %mul3A_21 : i32
      %add3A_23 = arith.addi %mul3A_20, %mul3A_22 : i32
      "tpu.region"() ({
        %run_scoped3A = tpu.sem_alloc : memref<!tpu.dma_semaphore, #tpu.memory_space<semaphore_mem>>
        %dma_start3A = arith.constant 0 : i32
        %dma_start3A_32 = tpu.memref_slice %arg3[%add3A_23, %dma_start3A] : memref<2816x128xi32, #tpu.memory_space<hbm>> -> memref<8x128xi32, #tpu.memory_space<hbm>>
        %dma_start3A_33 = arith.constant 0 : i32
        %dma_start3A_34 = tpu.memref_slice %arg3[%add3A_23, %dma_start3A_33] : memref<2816x128xi32, #tpu.memory_space<hbm>> -> memref<8x128xi32, #tpu.memory_space<hbm>>
        tpu.enqueue_dma source(%dma_start3A_34 : memref<8x128xi32, #tpu.memory_space<hbm>>) target(%arg7 : memref<8x128xi32, #tpu.memory_space<vmem>>) target_semaphore(%run_scoped3A : memref<!tpu.dma_semaphore, #tpu.memory_space<semaphore_mem>>)
        %dma_wait3A = arith.constant 0 : i32
        %dma_wait3A_35 = tpu.memref_slice %arg3[%add3A_23, %dma_wait3A] : memref<2816x128xi32, #tpu.memory_space<hbm>> -> memref<8x128xi32, #tpu.memory_space<hbm>>
        %dma_wait3A_36 = arith.constant 0 : i32
        %dma_wait3A_37 = tpu.memref_slice %arg3[%add3A_23, %dma_wait3A_36] : memref<2816x128xi32, #tpu.memory_space<hbm>> -> memref<8x128xi32, #tpu.memory_space<hbm>>
        tpu.wait_dma2 semaphore(%run_scoped3A : memref<!tpu.dma_semaphore, #tpu.memory_space<semaphore_mem>>) src(%dma_wait3A_37 : memref<8x128xi32, #tpu.memory_space<hbm>>) dst(%arg7 : memref<8x128xi32, #tpu.memory_space<vmem>>)
        tpu.yield
      }) : () -> ()
      "tpu.region"() ({
        %run_scoped3A = tpu.sem_alloc : memref<!tpu.dma_semaphore, #tpu.memory_space<semaphore_mem>>
        %dma_start3A = arith.constant 0 : i32
        %dma_start3A_32 = tpu.memref_slice %arg4[%add3A_23, %dma_start3A] : memref<2816x128xi32, #tpu.memory_space<hbm>> -> memref<8x128xi32, #tpu.memory_space<hbm>>
        %dma_start3A_33 = arith.constant 0 : i32
        %dma_start3A_34 = tpu.memref_slice %arg4[%add3A_23, %dma_start3A_33] : memref<2816x128xi32, #tpu.memory_space<hbm>> -> memref<8x128xi32, #tpu.memory_space<hbm>>
        tpu.enqueue_dma source(%dma_start3A_34 : memref<8x128xi32, #tpu.memory_space<hbm>>) target(%arg8 : memref<8x128xi32, #tpu.memory_space<vmem>>) target_semaphore(%run_scoped3A : memref<!tpu.dma_semaphore, #tpu.memory_space<semaphore_mem>>)
        %dma_wait3A = arith.constant 0 : i32
        %dma_wait3A_35 = tpu.memref_slice %arg4[%add3A_23, %dma_wait3A] : memref<2816x128xi32, #tpu.memory_space<hbm>> -> memref<8x128xi32, #tpu.memory_space<hbm>>
        %dma_wait3A_36 = arith.constant 0 : i32
        %dma_wait3A_37 = tpu.memref_slice %arg4[%add3A_23, %dma_wait3A_36] : memref<2816x128xi32, #tpu.memory_space<hbm>> -> memref<8x128xi32, #tpu.memory_space<hbm>>
        tpu.wait_dma2 semaphore(%run_scoped3A : memref<!tpu.dma_semaphore, #tpu.memory_space<semaphore_mem>>) src(%dma_wait3A_37 : memref<8x128xi32, #tpu.memory_space<hbm>>) dst(%arg8 : memref<8x128xi32, #tpu.memory_space<vmem>>)
        tpu.yield
      }) : () -> ()
      %scan3A_24 = arith.constant 0 : i32
      %scan3A_25 = arith.constant 0 : i32
      %scan3A_26 = arith.constant 8 : i32
      %scan3A_27 = arith.addi %scan3A_25, %scan3A_26 : i32
      %scan3A_28 = arith.constant 1 : i32
      %scan3A_29 = scf.for %scan3A_32 = %scan3A_25 to %scan3A_27 step %scan3A_28 iter_args(%scan3A_33 = %scan3A_24) -> (i32)  : i32 {
        "tpu.region"() ({
          %run_scoped3A = tpu.sem_alloc : memref<!tpu.dma_semaphore, #tpu.memory_space<semaphore_mem>>
          %dma_start3A = arith.constant 0 : i32
          %dma_start3A_35 = tpu.memref_slice %arg7[%scan3A_32, %dma_start3A] : memref<8x128xi32, #tpu.memory_space<vmem>> -> memref<1x128xi32, #tpu.memory_space<vmem>>
          %dma_start3A_36 = tpu.memref_squeeze %dma_start3A_35 : memref<1x128xi32, #tpu.memory_space<vmem>> -> memref<128xi32, #tpu.memory_space<vmem>>
          %dma_start3A_37 = arith.constant 0 : i32
          %dma_start3A_38 = arith.constant 0 : i32
          %dma_start3A_39 = tpu.memref_slice %arg2[%dma_start3A_37, %dma_start3A_38] : memref<10240x128xf32, #tpu.memory_space<hbm>> -> memref<10240x128xf32, #tpu.memory_space<hbm>>
          tpu.enqueue_indirect_dma source(%dma_start3A_39 : memref<10240x128xf32, #tpu.memory_space<hbm>>) target(%arg9 : memref<128x128xf32, #tpu.memory_space<vmem>>) offsets(%dma_start3A_36 : memref<128xi32, #tpu.memory_space<vmem>>) semaphore(%run_scoped3A : memref<!tpu.dma_semaphore, #tpu.memory_space<semaphore_mem>>)
          %dma_wait3A = arith.constant 0 : i32
          %dma_wait3A_40 = tpu.memref_slice %arg7[%scan3A_32, %dma_wait3A] : memref<8x128xi32, #tpu.memory_space<vmem>> -> memref<1x128xi32, #tpu.memory_space<vmem>>
          %dma_wait3A_41 = tpu.memref_squeeze %dma_wait3A_40 : memref<1x128xi32, #tpu.memory_space<vmem>> -> memref<128xi32, #tpu.memory_space<vmem>>
          %dma_wait3A_42 = arith.constant 0 : i32
          %dma_wait3A_43 = arith.constant 0 : i32
          %dma_wait3A_44 = tpu.memref_slice %arg2[%dma_wait3A_42, %dma_wait3A_43] : memref<10240x128xf32, #tpu.memory_space<hbm>> -> memref<10240x128xf32, #tpu.memory_space<hbm>>
          tpu.wait_indirect_dma semaphore(%run_scoped3A : memref<!tpu.dma_semaphore, #tpu.memory_space<semaphore_mem>>) src(%dma_wait3A_44 : memref<10240x128xf32, #tpu.memory_space<hbm>>) dst(%arg9 : memref<128x128xf32, #tpu.memory_space<vmem>>)
          tpu.yield
        }) : () -> ()
        "tpu.region"() ({
          %run_scoped3A = tpu.sem_alloc : memref<!tpu.dma_semaphore, #tpu.memory_space<semaphore_mem>>
          %dma_start3A = arith.constant 0 : i32
          %dma_start3A_35 = tpu.memref_slice %arg8[%scan3A_32, %dma_start3A] : memref<8x128xi32, #tpu.memory_space<vmem>> -> memref<1x128xi32, #tpu.memory_space<vmem>>
          %dma_start3A_36 = tpu.memref_squeeze %dma_start3A_35 : memref<1x128xi32, #tpu.memory_space<vmem>> -> memref<128xi32, #tpu.memory_space<vmem>>
          %dma_start3A_37 = arith.constant 0 : i32
          %dma_start3A_38 = arith.constant 0 : i32
          %dma_start3A_39 = tpu.memref_slice %arg10[%dma_start3A_37, %dma_start3A_38] : memref<10240x128xf32, #tpu.memory_space<vmem_shared>> -> memref<10240x128xf32, #tpu.memory_space<vmem_shared>>
          tpu.enqueue_indirect_dma source(%arg9 : memref<128x128xf32, #tpu.memory_space<vmem>>) target(%dma_start3A_39 : memref<10240x128xf32, #tpu.memory_space<vmem_shared>>) offsets(%dma_start3A_36 : memref<128xi32, #tpu.memory_space<vmem>>) semaphore(%run_scoped3A : memref<!tpu.dma_semaphore, #tpu.memory_space<semaphore_mem>>) {add = true}
          %dma_wait3A = arith.constant 0 : i32
          %dma_wait3A_40 = tpu.memref_slice %arg8[%scan3A_32, %dma_wait3A] : memref<8x128xi32, #tpu.memory_space<vmem>> -> memref<1x128xi32, #tpu.memory_space<vmem>>
          %dma_wait3A_41 = tpu.memref_squeeze %dma_wait3A_40 : memref<1x128xi32, #tpu.memory_space<vmem>> -> memref<128xi32, #tpu.memory_space<vmem>>
          %dma_wait3A_42 = arith.constant 0 : i32
          %dma_wait3A_43 = arith.constant 0 : i32
          %dma_wait3A_44 = tpu.memref_slice %arg10[%dma_wait3A_42, %dma_wait3A_43] : memref<10240x128xf32, #tpu.memory_space<vmem_shared>> -> memref<10240x128xf32, #tpu.memory_space<vmem_shared>>
          tpu.wait_indirect_dma semaphore(%run_scoped3A : memref<!tpu.dma_semaphore, #tpu.memory_space<semaphore_mem>>) src(%arg9 : memref<128x128xf32, #tpu.memory_space<vmem>>) dst(%dma_wait3A_44 : memref<10240x128xf32, #tpu.memory_space<vmem_shared>>)
          tpu.yield
        }) : () -> ()
        %scan3A_34 = arith.constant 0 : i32
        scf.yield %scan3A_34 : i32
      }
      %scan3A_30 = arith.constant 8 : i32
      %scan3A_31 = arith.constant 0 : i32
      scf.yield %scan3A_31 : i32
    }
    %scan3A_8 = arith.constant 11 : i32
    %barrier3A_9 = arith.constant 0 : index
    tpu.barrier barrier_id(%barrier3A_9)
    %eq3A = arith.constant 0 : i32
    %eq3A_10 = arith.cmpi eq, %arg0, %eq3A : i32
    %convert_element_type3A = arith.extui %eq3A_10 : i1 to i32
    %cond3A = arith.constant 0 : i32
    %cond3A_11 = arith.cmpi ne, %convert_element_type3A, %cond3A : i32
    scf.if %cond3A_11 {
      %run_scoped3A = arith.constant 0 : i32
      "tpu.region"() ({
        %run_scoped3A_17 = tpu.sem_alloc : memref<!tpu.dma_semaphore, #tpu.memory_space<semaphore_mem>>
        %dma_start3A = arith.constant 0 : i32
        %dma_start3A_18 = tpu.memref_slice %arg6[%run_scoped3A, %mul3A_0, %dma_start3A] : memref<2x10240x128xf32, #tpu.memory_space<hbm>> -> memref<1x640x128xf32, #tpu.memory_space<hbm>>
        %dma_start3A_19 = tpu.memref_squeeze %dma_start3A_18 : memref<1x640x128xf32, #tpu.memory_space<hbm>> -> memref<640x128xf32, #tpu.memory_space<hbm>>
        %dma_start3A_20 = arith.constant 0 : i32
        %dma_start3A_21 = tpu.memref_slice %arg10[%mul3A_0, %dma_start3A_20] : memref<10240x128xf32, #tpu.memory_space<vmem_shared>> -> memref<640x128xf32, #tpu.memory_space<vmem_shared>>
        tpu.enqueue_dma source(%dma_start3A_21 : memref<640x128xf32, #tpu.memory_space<vmem_shared>>) target(%dma_start3A_19 : memref<640x128xf32, #tpu.memory_space<hbm>>) target_semaphore(%run_scoped3A_17 : memref<!tpu.dma_semaphore, #tpu.memory_space<semaphore_mem>>)
        %dma_wait3A = arith.constant 0 : i32
        %dma_wait3A_22 = tpu.memref_slice %arg6[%run_scoped3A, %mul3A_0, %dma_wait3A] : memref<2x10240x128xf32, #tpu.memory_space<hbm>> -> memref<1x640x128xf32, #tpu.memory_space<hbm>>
        %dma_wait3A_23 = tpu.memref_squeeze %dma_wait3A_22 : memref<1x640x128xf32, #tpu.memory_space<hbm>> -> memref<640x128xf32, #tpu.memory_space<hbm>>
        %dma_wait3A_24 = arith.constant 0 : i32
        %dma_wait3A_25 = tpu.memref_slice %arg10[%mul3A_0, %dma_wait3A_24] : memref<10240x128xf32, #tpu.memory_space<vmem_shared>> -> memref<640x128xf32, #tpu.memory_space<vmem_shared>>
        tpu.wait_dma2 semaphore(%run_scoped3A_17 : memref<!tpu.dma_semaphore, #tpu.memory_space<semaphore_mem>>) src(%dma_wait3A_25 : memref<640x128xf32, #tpu.memory_space<vmem_shared>>) dst(%dma_wait3A_23 : memref<640x128xf32, #tpu.memory_space<hbm>>)
        tpu.yield
      }) : () -> ()
    } else {
    }
    %eq3A_12 = arith.constant 1 : i32
    %eq3A_13 = arith.cmpi eq, %arg0, %eq3A_12 : i32
    %convert_element_type3A_14 = arith.extui %eq3A_13 : i1 to i32
    %cond3A_15 = arith.constant 0 : i32
    %cond3A_16 = arith.cmpi ne, %convert_element_type3A_14, %cond3A_15 : i32
    scf.if %cond3A_16 {
      %run_scoped3A = arith.constant 1 : i32
      "tpu.region"() ({
        %run_scoped3A_17 = tpu.sem_alloc : memref<!tpu.dma_semaphore, #tpu.memory_space<semaphore_mem>>
        %dma_start3A = arith.constant 0 : i32
        %dma_start3A_18 = tpu.memref_slice %arg6[%run_scoped3A, %mul3A_0, %dma_start3A] : memref<2x10240x128xf32, #tpu.memory_space<hbm>> -> memref<1x640x128xf32, #tpu.memory_space<hbm>>
        %dma_start3A_19 = tpu.memref_squeeze %dma_start3A_18 : memref<1x640x128xf32, #tpu.memory_space<hbm>> -> memref<640x128xf32, #tpu.memory_space<hbm>>
        %dma_start3A_20 = arith.constant 0 : i32
        %dma_start3A_21 = tpu.memref_slice %arg10[%mul3A_0, %dma_start3A_20] : memref<10240x128xf32, #tpu.memory_space<vmem_shared>> -> memref<640x128xf32, #tpu.memory_space<vmem_shared>>
        tpu.enqueue_dma source(%dma_start3A_21 : memref<640x128xf32, #tpu.memory_space<vmem_shared>>) target(%dma_start3A_19 : memref<640x128xf32, #tpu.memory_space<hbm>>) target_semaphore(%run_scoped3A_17 : memref<!tpu.dma_semaphore, #tpu.memory_space<semaphore_mem>>)
        %dma_wait3A = arith.constant 0 : i32
        %dma_wait3A_22 = tpu.memref_slice %arg6[%run_scoped3A, %mul3A_0, %dma_wait3A] : memref<2x10240x128xf32, #tpu.memory_space<hbm>> -> memref<1x640x128xf32, #tpu.memory_space<hbm>>
        %dma_wait3A_23 = tpu.memref_squeeze %dma_wait3A_22 : memref<1x640x128xf32, #tpu.memory_space<hbm>> -> memref<640x128xf32, #tpu.memory_space<hbm>>
        %dma_wait3A_24 = arith.constant 0 : i32
        %dma_wait3A_25 = tpu.memref_slice %arg10[%mul3A_0, %dma_wait3A_24] : memref<10240x128xf32, #tpu.memory_space<vmem_shared>> -> memref<640x128xf32, #tpu.memory_space<vmem_shared>>
        tpu.wait_dma2 semaphore(%run_scoped3A_17 : memref<!tpu.dma_semaphore, #tpu.memory_space<semaphore_mem>>) src(%dma_wait3A_25 : memref<640x128xf32, #tpu.memory_space<vmem_shared>>) dst(%dma_wait3A_23 : memref<640x128xf32, #tpu.memory_space<hbm>>)
        tpu.yield
      }) : () -> ()
    } else {
    }
    return
  }
}

#map = affine_map<(d0, d1) -> (0, 0)>
#map1 = affine_map<(d0, d1) -> (0, 0, 0)>
module attributes {stable_mosaic.version = 14 : i64} {
  func.func @_hop_kernel_body(%arg0: i32, %arg1: i32, %arg2: memref<10240x128xf32, #tpu.memory_space<hbm>>, %arg3: memref<2816x128xi32, #tpu.memory_space<hbm>>, %arg4: memref<2816x128xi32, #tpu.memory_space<hbm>>, %arg5: memref<640x128xf32, #tpu.memory_space<hbm>>, %arg6: memref<2x10240x128xf32, #tpu.memory_space<hbm>>, %arg7: memref<8x128xi32, #tpu.memory_space<vmem>>, %arg8: memref<8x128xi32, #tpu.memory_space<vmem>>, %arg9: memref<128x128xf32, #tpu.memory_space<vmem>>, %arg10: memref<10240x128xf32, #tpu.memory_space<vmem_shared>>) attributes {dimension_semantics = [#tpu.dimension_semantics<core_parallel>, #tpu.dimension_semantics<subcore_parallel>], iteration_bounds = array<i64: 2, 16>, scalar_prefetch = 0 : i64, scratch_operands = 4 : i64, tpu.core_type = #tpu.core_type<sc_vector_subcore>, window_params = [{transform_indices = #map}, {transform_indices = #map}, {transform_indices = #map}, {transform_indices = #map}, {transform_indices = #map1}]} {
    %mul3A = arith.constant 640 : i32
    %mul3A_0 = arith.muli %arg1, %mul3A : i32
    "tpu.region"() ({
      %run_scoped3A = tpu.sem_alloc : memref<!tpu.dma_semaphore, #tpu.memory_space<semaphore_mem>>
      %dma_start3A = arith.constant 0 : i32
      %dma_start3A_17 = tpu.memref_slice %arg10[%mul3A_0, %dma_start3A] : memref<10240x128xf32, #tpu.memory_space<vmem_shared>> -> memref<640x128xf32, #tpu.memory_space<vmem_shared>>
      tpu.enqueue_dma source(%arg5 : memref<640x128xf32, #tpu.memory_space<hbm>>) target(%dma_start3A_17 : memref<640x128xf32, #tpu.memory_space<vmem_shared>>) target_semaphore(%run_scoped3A : memref<!tpu.dma_semaphore, #tpu.memory_space<semaphore_mem>>)
      %dma_wait3A = arith.constant 0 : i32
      %dma_wait3A_18 = tpu.memref_slice %arg10[%mul3A_0, %dma_wait3A] : memref<10240x128xf32, #tpu.memory_space<vmem_shared>> -> memref<640x128xf32, #tpu.memory_space<vmem_shared>>
      tpu.wait_dma2 semaphore(%run_scoped3A : memref<!tpu.dma_semaphore, #tpu.memory_space<semaphore_mem>>) src(%arg5 : memref<640x128xf32, #tpu.memory_space<hbm>>) dst(%dma_wait3A_18 : memref<640x128xf32, #tpu.memory_space<vmem_shared>>)
      tpu.yield
    }) : () -> ()
    %barrier3A = arith.constant 0 : index
    tpu.barrier barrier_id(%barrier3A)
    %mul3A_1 = arith.constant 2 : i32
    %mul3A_2 = arith.muli %arg1, %mul3A_1 : i32
    %add3A = arith.addi %mul3A_2, %arg0 : i32
    %scan3A = arith.constant 0 : i32
    %scan3A_3 = arith.constant 0 : i32
    %scan3A_4 = arith.constant 11 : i32
    %scan3A_5 = arith.addi %scan3A_3, %scan3A_4 : i32
    %scan3A_6 = arith.constant 1 : i32
    %scan3A_7 = scf.for %scan3A_17 = %scan3A_3 to %scan3A_5 step %scan3A_6 iter_args(%scan3A_18 = %scan3A) -> (i32)  : i32 {
      %mul3A_19 = arith.constant 88 : i32
      %mul3A_20 = arith.muli %add3A, %mul3A_19 : i32
      %mul3A_21 = arith.constant 8 : i32
      %mul3A_22 = arith.muli %scan3A_17, %mul3A_21 : i32
      %add3A_23 = arith.addi %mul3A_20, %mul3A_22 : i32
      "tpu.region"() ({
        %run_scoped3A = tpu.sem_alloc : memref<!tpu.dma_semaphore, #tpu.memory_space<semaphore_mem>>
        %dma_start3A = arith.constant 0 : i32
        %dma_start3A_32 = tpu.memref_slice %arg3[%add3A_23, %dma_start3A] : memref<2816x128xi32, #tpu.memory_space<hbm>> -> memref<8x128xi32, #tpu.memory_space<hbm>>
        %dma_start3A_33 = arith.constant 0 : i32
        %dma_start3A_34 = tpu.memref_slice %arg3[%add3A_23, %dma_start3A_33] : memref<2816x128xi32, #tpu.memory_space<hbm>> -> memref<8x128xi32, #tpu.memory_space<hbm>>
        tpu.enqueue_dma source(%dma_start3A_34 : memref<8x128xi32, #tpu.memory_space<hbm>>) target(%arg7 : memref<8x128xi32, #tpu.memory_space<vmem>>) target_semaphore(%run_scoped3A : memref<!tpu.dma_semaphore, #tpu.memory_space<semaphore_mem>>)
        %dma_wait3A = arith.constant 0 : i32
        %dma_wait3A_35 = tpu.memref_slice %arg3[%add3A_23, %dma_wait3A] : memref<2816x128xi32, #tpu.memory_space<hbm>> -> memref<8x128xi32, #tpu.memory_space<hbm>>
        %dma_wait3A_36 = arith.constant 0 : i32
        %dma_wait3A_37 = tpu.memref_slice %arg3[%add3A_23, %dma_wait3A_36] : memref<2816x128xi32, #tpu.memory_space<hbm>> -> memref<8x128xi32, #tpu.memory_space<hbm>>
        tpu.wait_dma2 semaphore(%run_scoped3A : memref<!tpu.dma_semaphore, #tpu.memory_space<semaphore_mem>>) src(%dma_wait3A_37 : memref<8x128xi32, #tpu.memory_space<hbm>>) dst(%arg7 : memref<8x128xi32, #tpu.memory_space<vmem>>)
        tpu.yield
      }) : () -> ()
      "tpu.region"() ({
        %run_scoped3A = tpu.sem_alloc : memref<!tpu.dma_semaphore, #tpu.memory_space<semaphore_mem>>
        %dma_start3A = arith.constant 0 : i32
        %dma_start3A_32 = tpu.memref_slice %arg4[%add3A_23, %dma_start3A] : memref<2816x128xi32, #tpu.memory_space<hbm>> -> memref<8x128xi32, #tpu.memory_space<hbm>>
        %dma_start3A_33 = arith.constant 0 : i32
        %dma_start3A_34 = tpu.memref_slice %arg4[%add3A_23, %dma_start3A_33] : memref<2816x128xi32, #tpu.memory_space<hbm>> -> memref<8x128xi32, #tpu.memory_space<hbm>>
        tpu.enqueue_dma source(%dma_start3A_34 : memref<8x128xi32, #tpu.memory_space<hbm>>) target(%arg8 : memref<8x128xi32, #tpu.memory_space<vmem>>) target_semaphore(%run_scoped3A : memref<!tpu.dma_semaphore, #tpu.memory_space<semaphore_mem>>)
        %dma_wait3A = arith.constant 0 : i32
        %dma_wait3A_35 = tpu.memref_slice %arg4[%add3A_23, %dma_wait3A] : memref<2816x128xi32, #tpu.memory_space<hbm>> -> memref<8x128xi32, #tpu.memory_space<hbm>>
        %dma_wait3A_36 = arith.constant 0 : i32
        %dma_wait3A_37 = tpu.memref_slice %arg4[%add3A_23, %dma_wait3A_36] : memref<2816x128xi32, #tpu.memory_space<hbm>> -> memref<8x128xi32, #tpu.memory_space<hbm>>
        tpu.wait_dma2 semaphore(%run_scoped3A : memref<!tpu.dma_semaphore, #tpu.memory_space<semaphore_mem>>) src(%dma_wait3A_37 : memref<8x128xi32, #tpu.memory_space<hbm>>) dst(%arg8 : memref<8x128xi32, #tpu.memory_space<vmem>>)
        tpu.yield
      }) : () -> ()
      %scan3A_24 = arith.constant 0 : i32
      %scan3A_25 = arith.constant 0 : i32
      %scan3A_26 = arith.constant 8 : i32
      %scan3A_27 = arith.addi %scan3A_25, %scan3A_26 : i32
      %scan3A_28 = arith.constant 1 : i32
      %scan3A_29 = scf.for %scan3A_32 = %scan3A_25 to %scan3A_27 step %scan3A_28 iter_args(%scan3A_33 = %scan3A_24) -> (i32)  : i32 {
        "tpu.region"() ({
          %run_scoped3A = tpu.sem_alloc : memref<!tpu.dma_semaphore, #tpu.memory_space<semaphore_mem>>
          %dma_start3A = arith.constant 0 : i32
          %dma_start3A_35 = tpu.memref_slice %arg7[%scan3A_32, %dma_start3A] : memref<8x128xi32, #tpu.memory_space<vmem>> -> memref<1x128xi32, #tpu.memory_space<vmem>>
          %dma_start3A_36 = tpu.memref_squeeze %dma_start3A_35 : memref<1x128xi32, #tpu.memory_space<vmem>> -> memref<128xi32, #tpu.memory_space<vmem>>
          %dma_start3A_37 = arith.constant 0 : i32
          %dma_start3A_38 = arith.constant 0 : i32
          %dma_start3A_39 = tpu.memref_slice %arg2[%dma_start3A_37, %dma_start3A_38] : memref<10240x128xf32, #tpu.memory_space<hbm>> -> memref<10240x128xf32, #tpu.memory_space<hbm>>
          tpu.enqueue_indirect_dma source(%dma_start3A_39 : memref<10240x128xf32, #tpu.memory_space<hbm>>) target(%arg9 : memref<128x128xf32, #tpu.memory_space<vmem>>) offsets(%dma_start3A_36 : memref<128xi32, #tpu.memory_space<vmem>>) semaphore(%run_scoped3A : memref<!tpu.dma_semaphore, #tpu.memory_space<semaphore_mem>>)
          %dma_wait3A = arith.constant 0 : i32
          %dma_wait3A_40 = tpu.memref_slice %arg7[%scan3A_32, %dma_wait3A] : memref<8x128xi32, #tpu.memory_space<vmem>> -> memref<1x128xi32, #tpu.memory_space<vmem>>
          %dma_wait3A_41 = tpu.memref_squeeze %dma_wait3A_40 : memref<1x128xi32, #tpu.memory_space<vmem>> -> memref<128xi32, #tpu.memory_space<vmem>>
          %dma_wait3A_42 = arith.constant 0 : i32
          %dma_wait3A_43 = arith.constant 0 : i32
          %dma_wait3A_44 = tpu.memref_slice %arg2[%dma_wait3A_42, %dma_wait3A_43] : memref<10240x128xf32, #tpu.memory_space<hbm>> -> memref<10240x128xf32, #tpu.memory_space<hbm>>
          tpu.wait_indirect_dma semaphore(%run_scoped3A : memref<!tpu.dma_semaphore, #tpu.memory_space<semaphore_mem>>) src(%dma_wait3A_44 : memref<10240x128xf32, #tpu.memory_space<hbm>>) dst(%arg9 : memref<128x128xf32, #tpu.memory_space<vmem>>)
          tpu.yield
        }) : () -> ()
        "tpu.region"() ({
          %run_scoped3A = tpu.sem_alloc : memref<!tpu.dma_semaphore, #tpu.memory_space<semaphore_mem>>
          %dma_start3A = arith.constant 0 : i32
          %dma_start3A_35 = tpu.memref_slice %arg8[%scan3A_32, %dma_start3A] : memref<8x128xi32, #tpu.memory_space<vmem>> -> memref<1x128xi32, #tpu.memory_space<vmem>>
          %dma_start3A_36 = tpu.memref_squeeze %dma_start3A_35 : memref<1x128xi32, #tpu.memory_space<vmem>> -> memref<128xi32, #tpu.memory_space<vmem>>
          %dma_start3A_37 = arith.constant 0 : i32
          %dma_start3A_38 = arith.constant 0 : i32
          %dma_start3A_39 = tpu.memref_slice %arg10[%dma_start3A_37, %dma_start3A_38] : memref<10240x128xf32, #tpu.memory_space<vmem_shared>> -> memref<10240x128xf32, #tpu.memory_space<vmem_shared>>
          tpu.enqueue_indirect_dma source(%arg9 : memref<128x128xf32, #tpu.memory_space<vmem>>) target(%dma_start3A_39 : memref<10240x128xf32, #tpu.memory_space<vmem_shared>>) offsets(%dma_start3A_36 : memref<128xi32, #tpu.memory_space<vmem>>) semaphore(%run_scoped3A : memref<!tpu.dma_semaphore, #tpu.memory_space<semaphore_mem>>) {add = true}
          %dma_wait3A = arith.constant 0 : i32
          %dma_wait3A_40 = tpu.memref_slice %arg8[%scan3A_32, %dma_wait3A] : memref<8x128xi32, #tpu.memory_space<vmem>> -> memref<1x128xi32, #tpu.memory_space<vmem>>
          %dma_wait3A_41 = tpu.memref_squeeze %dma_wait3A_40 : memref<1x128xi32, #tpu.memory_space<vmem>> -> memref<128xi32, #tpu.memory_space<vmem>>
          %dma_wait3A_42 = arith.constant 0 : i32
          %dma_wait3A_43 = arith.constant 0 : i32
          %dma_wait3A_44 = tpu.memref_slice %arg10[%dma_wait3A_42, %dma_wait3A_43] : memref<10240x128xf32, #tpu.memory_space<vmem_shared>> -> memref<10240x128xf32, #tpu.memory_space<vmem_shared>>
          tpu.wait_indirect_dma semaphore(%run_scoped3A : memref<!tpu.dma_semaphore, #tpu.memory_space<semaphore_mem>>) src(%arg9 : memref<128x128xf32, #tpu.memory_space<vmem>>) dst(%dma_wait3A_44 : memref<10240x128xf32, #tpu.memory_space<vmem_shared>>)
          tpu.yield
        }) : () -> ()
        %scan3A_34 = arith.constant 0 : i32
        scf.yield %scan3A_34 : i32
      }
      %scan3A_30 = arith.constant 8 : i32
      %scan3A_31 = arith.constant 0 : i32
      scf.yield %scan3A_31 : i32
    }
    %scan3A_8 = arith.constant 11 : i32
    %barrier3A_9 = arith.constant 0 : index
    tpu.barrier barrier_id(%barrier3A_9)
    %eq3A = arith.constant 0 : i32
    %eq3A_10 = arith.cmpi eq, %arg0, %eq3A : i32
    %convert_element_type3A = arith.extui %eq3A_10 : i1 to i32
    %cond3A = arith.constant 0 : i32
    %cond3A_11 = arith.cmpi ne, %convert_element_type3A, %cond3A : i32
    scf.if %cond3A_11 {
      %run_scoped3A = arith.constant 0 : i32
      "tpu.region"() ({
        %run_scoped3A_17 = tpu.sem_alloc : memref<!tpu.dma_semaphore, #tpu.memory_space<semaphore_mem>>
        %dma_start3A = arith.constant 0 : i32
        %dma_start3A_18 = tpu.memref_slice %arg6[%run_scoped3A, %mul3A_0, %dma_start3A] : memref<2x10240x128xf32, #tpu.memory_space<hbm>> -> memref<1x640x128xf32, #tpu.memory_space<hbm>>
        %dma_start3A_19 = tpu.memref_squeeze %dma_start3A_18 : memref<1x640x128xf32, #tpu.memory_space<hbm>> -> memref<640x128xf32, #tpu.memory_space<hbm>>
        %dma_start3A_20 = arith.constant 0 : i32
        %dma_start3A_21 = tpu.memref_slice %arg10[%mul3A_0, %dma_start3A_20] : memref<10240x128xf32, #tpu.memory_space<vmem_shared>> -> memref<640x128xf32, #tpu.memory_space<vmem_shared>>
        tpu.enqueue_dma source(%dma_start3A_21 : memref<640x128xf32, #tpu.memory_space<vmem_shared>>) target(%dma_start3A_19 : memref<640x128xf32, #tpu.memory_space<hbm>>) target_semaphore(%run_scoped3A_17 : memref<!tpu.dma_semaphore, #tpu.memory_space<semaphore_mem>>)
        %dma_wait3A = arith.constant 0 : i32
        %dma_wait3A_22 = tpu.memref_slice %arg6[%run_scoped3A, %mul3A_0, %dma_wait3A] : memref<2x10240x128xf32, #tpu.memory_space<hbm>> -> memref<1x640x128xf32, #tpu.memory_space<hbm>>
        %dma_wait3A_23 = tpu.memref_squeeze %dma_wait3A_22 : memref<1x640x128xf32, #tpu.memory_space<hbm>> -> memref<640x128xf32, #tpu.memory_space<hbm>>
        %dma_wait3A_24 = arith.constant 0 : i32
        %dma_wait3A_25 = tpu.memref_slice %arg10[%mul3A_0, %dma_wait3A_24] : memref<10240x128xf32, #tpu.memory_space<vmem_shared>> -> memref<640x128xf32, #tpu.memory_space<vmem_shared>>
        tpu.wait_dma2 semaphore(%run_scoped3A_17 : memref<!tpu.dma_semaphore, #tpu.memory_space<semaphore_mem>>) src(%dma_wait3A_25 : memref<640x128xf32, #tpu.memory_space<vmem_shared>>) dst(%dma_wait3A_23 : memref<640x128xf32, #tpu.memory_space<hbm>>)
        tpu.yield
      }) : () -> ()
    } else {
    }
    %eq3A_12 = arith.constant 1 : i32
    %eq3A_13 = arith.cmpi eq, %arg0, %eq3A_12 : i32
    %convert_element_type3A_14 = arith.extui %eq3A_13 : i1 to i32
    %cond3A_15 = arith.constant 0 : i32
    %cond3A_16 = arith.cmpi ne, %convert_element_type3A_14, %cond3A_15 : i32
    scf.if %cond3A_16 {
      %run_scoped3A = arith.constant 1 : i32
      "tpu.region"() ({
        %run_scoped3A_17 = tpu.sem_alloc : memref<!tpu.dma_semaphore, #tpu.memory_space<semaphore_mem>>
        %dma_start3A = arith.constant 0 : i32
        %dma_start3A_18 = tpu.memref_slice %arg6[%run_scoped3A, %mul3A_0, %dma_start3A] : memref<2x10240x128xf32, #tpu.memory_space<hbm>> -> memref<1x640x128xf32, #tpu.memory_space<hbm>>
        %dma_start3A_19 = tpu.memref_squeeze %dma_start3A_18 : memref<1x640x128xf32, #tpu.memory_space<hbm>> -> memref<640x128xf32, #tpu.memory_space<hbm>>
        %dma_start3A_20 = arith.constant 0 : i32
        %dma_start3A_21 = tpu.memref_slice %arg10[%mul3A_0, %dma_start3A_20] : memref<10240x128xf32, #tpu.memory_space<vmem_shared>> -> memref<640x128xf32, #tpu.memory_space<vmem_shared>>
        tpu.enqueue_dma source(%dma_start3A_21 : memref<640x128xf32, #tpu.memory_space<vmem_shared>>) target(%dma_start3A_19 : memref<640x128xf32, #tpu.memory_space<hbm>>) target_semaphore(%run_scoped3A_17 : memref<!tpu.dma_semaphore, #tpu.memory_space<semaphore_mem>>)
        %dma_wait3A = arith.constant 0 : i32
        %dma_wait3A_22 = tpu.memref_slice %arg6[%run_scoped3A, %mul3A_0, %dma_wait3A] : memref<2x10240x128xf32, #tpu.memory_space<hbm>> -> memref<1x640x128xf32, #tpu.memory_space<hbm>>
        %dma_wait3A_23 = tpu.memref_squeeze %dma_wait3A_22 : memref<1x640x128xf32, #tpu.memory_space<hbm>> -> memref<640x128xf32, #tpu.memory_space<hbm>>
        %dma_wait3A_24 = arith.constant 0 : i32
        %dma_wait3A_25 = tpu.memref_slice %arg10[%mul3A_0, %dma_wait3A_24] : memref<10240x128xf32, #tpu.memory_space<vmem_shared>> -> memref<640x128xf32, #tpu.memory_space<vmem_shared>>
        tpu.wait_dma2 semaphore(%run_scoped3A_17 : memref<!tpu.dma_semaphore, #tpu.memory_space<semaphore_mem>>) src(%dma_wait3A_25 : memref<640x128xf32, #tpu.memory_space<vmem_shared>>) dst(%dma_wait3A_23 : memref<640x128xf32, #tpu.memory_space<hbm>>)
        tpu.yield
      }) : () -> ()
    } else {
    }
    return
  }
}

module attributes {stable_mosaic.version = 14 : i64} {
  func.func @_prep_body(%arg0: memref<2x10240x16xf32, #tpu.memory_space<vmem>>, %arg1: memref<10240x128xf32, #tpu.memory_space<vmem>>, %arg2: memref<10240x128xf32, #tpu.memory_space<vmem>>, %arg3: memref<10240x1xf32, #tpu.memory_space<vmem>>, %arg4: memref<10240x1xf32, #tpu.memory_space<vmem>>) attributes {dimension_semantics = [], scalar_prefetch = 0 : i64, scratch_operands = 0 : i64, tpu.core_type = #tpu.core_type<tc>} {
    %get3A = arith.constant 0 : index
    %get3A_0 = arith.constant 0 : index
    %get3A_1 = arith.constant 0 : index
    %get3A_2 = vector.load %arg0[%get3A, %get3A_0, %get3A_1] : memref<2x10240x16xf32, #tpu.memory_space<vmem>>, vector<1x10240x1xf32>
    %get3A_3 = vector.shape_cast %get3A_2 : vector<1x10240x1xf32> to vector<10240x1xf32>
    %get3A_4 = arith.constant 1 : index
    %get3A_5 = arith.constant 0 : index
    %get3A_6 = arith.constant 0 : index
    %get3A_7 = vector.load %arg0[%get3A_4, %get3A_5, %get3A_6] : memref<2x10240x16xf32, #tpu.memory_space<vmem>>, vector<1x10240x1xf32>
    %get3A_8 = vector.shape_cast %get3A_7 : vector<1x10240x1xf32> to vector<10240x1xf32>
    %add3A = arith.addf %get3A_3, %get3A_8 : vector<10240x1xf32>
    %max3A = arith.constant 1.000000e+00 : f32
    %max3A_9 = vector.broadcast %max3A : f32 to vector<10240x1xf32>
    %max3A_10 = arith.maximumf %add3A, %max3A_9 : vector<10240x1xf32>
    %rsqrt3A = math.rsqrt %max3A_10 : vector<10240x1xf32>
    %get3A_11 = arith.constant 0 : index
    %get3A_12 = arith.constant 0 : index
    %get3A_13 = vector.load %arg1[%get3A_11, %get3A_12] : memref<10240x128xf32, #tpu.memory_space<vmem>>, vector<10240x128xf32>
    %mul3A = vector.broadcast %rsqrt3A : vector<10240x1xf32> to vector<10240x128xf32>
    %mul3A_14 = arith.mulf %get3A_13, %mul3A : vector<10240x128xf32>
    %swap3A = arith.constant 0 : index
    %swap3A_15 = arith.constant 0 : index
    %swap3A_16 = vector.load %arg2[%swap3A, %swap3A_15] : memref<10240x128xf32, #tpu.memory_space<vmem>>, vector<10240x128xf32>
    tpu.vector_store %arg2[%swap3A, %swap3A_15], %mul3A_14 {strides = array<i32>} : memref<10240x128xf32, #tpu.memory_space<vmem>>, vector<10240x128xf32>,
    %swap3A_17 = arith.constant 0 : index
    %swap3A_18 = arith.constant 0 : index
    %swap3A_19 = vector.load %arg3[%swap3A_17, %swap3A_18] : memref<10240x1xf32, #tpu.memory_space<vmem>>, vector<10240x1xf32>
    tpu.vector_store %arg3[%swap3A_17, %swap3A_18], %rsqrt3A {strides = array<i32>} : memref<10240x1xf32, #tpu.memory_space<vmem>>, vector<10240x1xf32>,
    %div3A = arith.constant 1.000000e+00 : f32
    %div3A_20 = vector.broadcast %div3A : f32 to vector<10240x1xf32>
    %div3A_21 = arith.divf %div3A_20, %max3A_10 : vector<10240x1xf32>
    %swap3A_22 = arith.constant 0 : index
    %swap3A_23 = arith.constant 0 : index
    %swap3A_24 = vector.load %arg4[%swap3A_22, %swap3A_23] : memref<10240x1xf32, #tpu.memory_space<vmem>>, vector<10240x1xf32>
    tpu.vector_store %arg4[%swap3A_22, %swap3A_23], %div3A_21 {strides = array<i32>} : memref<10240x1xf32, #tpu.memory_space<vmem>>, vector<10240x1xf32>,
    return
  }
}

module attributes {stable_mosaic.version = 14 : i64} {
  func.func @_scale_body(%arg0: memref<2x10240x128xf32, #tpu.memory_space<vmem>>, %arg1: memref<10240x1xf32, #tpu.memory_space<vmem>>, %arg2: memref<10240x128xf32, #tpu.memory_space<vmem>>) attributes {dimension_semantics = [], scalar_prefetch = 0 : i64, scratch_operands = 0 : i64, tpu.core_type = #tpu.core_type<tc>} {
    %get3A = arith.constant 0 : index
    %get3A_0 = arith.constant 0 : index
    %get3A_1 = arith.constant 0 : index
    %get3A_2 = vector.load %arg0[%get3A, %get3A_0, %get3A_1] : memref<2x10240x128xf32, #tpu.memory_space<vmem>>, vector<1x10240x128xf32>
    %get3A_3 = vector.shape_cast %get3A_2 : vector<1x10240x128xf32> to vector<10240x128xf32>
    %get3A_4 = arith.constant 1 : index
    %get3A_5 = arith.constant 0 : index
    %get3A_6 = arith.constant 0 : index
    %get3A_7 = vector.load %arg0[%get3A_4, %get3A_5, %get3A_6] : memref<2x10240x128xf32, #tpu.memory_space<vmem>>, vector<1x10240x128xf32>
    %get3A_8 = vector.shape_cast %get3A_7 : vector<1x10240x128xf32> to vector<10240x128xf32>
    %add3A = arith.addf %get3A_3, %get3A_8 : vector<10240x128xf32>
    %get3A_9 = arith.constant 0 : index
    %get3A_10 = arith.constant 0 : index
    %get3A_11 = vector.load %arg1[%get3A_9, %get3A_10] : memref<10240x1xf32, #tpu.memory_space<vmem>>, vector<10240x1xf32>
    %mul3A = vector.broadcast %get3A_11 : vector<10240x1xf32> to vector<10240x128xf32>
    %mul3A_12 = arith.mulf %add3A, %mul3A : vector<10240x128xf32>
    %swap3A = arith.constant 0 : index
    %swap3A_13 = arith.constant 0 : index
    %swap3A_14 = vector.load %arg2[%swap3A, %swap3A_13] : memref<10240x128xf32, #tpu.memory_space<vmem>>, vector<10240x128xf32>
    tpu.vector_store %arg2[%swap3A, %swap3A_13], %mul3A_12 {strides = array<i32>} : memref<10240x128xf32, #tpu.memory_space<vmem>>, vector<10240x128xf32>,
    return
  }
}

module attributes {stable_mosaic.version = 14 : i64} {
  func.func @_final_body(%arg0: memref<2x10240x128xf32, #tpu.memory_space<vmem>>, %arg1: memref<10240x1xf32, #tpu.memory_space<vmem>>, %arg2: memref<128x128xf32, #tpu.memory_space<vmem>>, %arg3: memref<1x128xf32, #tpu.memory_space<vmem>>, %arg4: memref<10000x128xf32, #tpu.memory_space<vmem>>) attributes {dimension_semantics = [], scalar_prefetch = 0 : i64, scratch_operands = 0 : i64, tpu.core_type = #tpu.core_type<tc>} {
    %get3A = arith.constant 0 : index
    %get3A_0 = arith.constant 0 : index
    %get3A_1 = arith.constant 0 : index
    %get3A_2 = vector.load %arg0[%get3A, %get3A_0, %get3A_1] : memref<2x10240x128xf32, #tpu.memory_space<vmem>>, vector<1x10000x128xf32>
    %get3A_3 = vector.shape_cast %get3A_2 : vector<1x10000x128xf32> to vector<10000x128xf32>
    %get3A_4 = arith.constant 1 : index
    %get3A_5 = arith.constant 0 : index
    %get3A_6 = arith.constant 0 : index
    %get3A_7 = vector.load %arg0[%get3A_4, %get3A_5, %get3A_6] : memref<2x10240x128xf32, #tpu.memory_space<vmem>>, vector<1x10000x128xf32>
    %get3A_8 = vector.shape_cast %get3A_7 : vector<1x10000x128xf32> to vector<10000x128xf32>
    %add3A = arith.addf %get3A_3, %get3A_8 : vector<10000x128xf32>
    %get3A_9 = arith.constant 0 : index
    %get3A_10 = arith.constant 0 : index
    %get3A_11 = vector.load %arg1[%get3A_9, %get3A_10] : memref<10240x1xf32, #tpu.memory_space<vmem>>, vector<10000x1xf32>
    %mul3A = vector.broadcast %get3A_11 : vector<10000x1xf32> to vector<10000x128xf32>
    %mul3A_12 = arith.mulf %add3A, %mul3A : vector<10000x128xf32>
    %get3A_13 = arith.constant 0 : index
    %get3A_14 = arith.constant 0 : index
    %get3A_15 = vector.load %arg2[%get3A_13, %get3A_14] : memref<128x128xf32, #tpu.memory_space<vmem>>, vector<128x128xf32>
    %dot_general3A = arith.constant dense<0.000000e+00> : vector<10000x128xf32>
    %dot_general3A_16 = tpu.matmul %mul3A_12, %get3A_15, %dot_general3A {dimension_numbers = #tpu.dot_dimension_numbers<[1], [1], [0], [0], [0, 0, 1, 0], [], []>, precision = #tpu.contract_precision<fp32>, transpose_lhs_hint = false} : vector<10000x128xf32>, vector<128x128xf32>, vector<10000x128xf32> -> vector<10000x128xf32>
    %get3A_17 = arith.constant 0 : index
    %get3A_18 = arith.constant 0 : index
    %get3A_19 = vector.load %arg3[%get3A_17, %get3A_18] : memref<1x128xf32, #tpu.memory_space<vmem>>, vector<1x128xf32>
    %add3A_20 = vector.broadcast %get3A_19 : vector<1x128xf32> to vector<10000x128xf32>
    %add3A_21 = arith.addf %dot_general3A_16, %add3A_20 : vector<10000x128xf32>
    %swap3A = arith.constant 0 : index
    %swap3A_22 = arith.constant 0 : index
    %swap3A_23 = vector.load %arg4[%swap3A, %swap3A_22] : memref<10000x128xf32, #tpu.memory_space<vmem>>, vector<10000x128xf32>
    tpu.vector_store %arg4[%swap3A, %swap3A_22], %add3A_21 {strides = array<i32>} : memref<10000x128xf32, #tpu.memory_space<vmem>>, vector<10000x128xf32>,
    return
  }
}

</mosaic_0001>

<sc_bundles>
// kernel: kernel.10.cloned.1.call-start
scs
__scs_entry_jumppad:
0x0: {  	(pc) =	sbr.rel $0x88, $3  }
0x1: {  	(tag) =	ssettag $0x0;
	lr =	simm.s32 $0x1  }
0x2: {  	[smem:$0x3F9D] =	sst lr;
	_ =	strace $0xD0000000  }
0x3: {  	_ = 	snop  }
0x4: {  	_ = 	snop  }
0x5: {  	_ = 	snop  }
0x6: {  	_ = 	snop  }
0x7: {  	_ = 	snop  }
__scs_overlays_trampoline_lowered:
0x8: {  	[smem:$0x3FAC] =	sst s0  }
0x9: {  	[smem:$0x3FAD] =	sst s1  }
0xa: {  	[smem:$0x3FAE] =	sst s2  }
0xb: {  	[smem:$0x3FAF] =	sst s3  }
0xc: {  	[smem:$0x3FB0] =	sst s4  }
0xd: {  	[smem:$0x3FB1] =	sst s5  }
0xe: {  	[smem:$0x3FB2] =	sst s6  }
0xf: {  	[smem:$0x3FB3] =	sst s7  }
0x10: {  	[smem:$0x3FB4] =	sst s8  }
0x11: {  	[smem:$0x3FB5] =	sst s9;
	s0 =	simm.s32 @!p0 $0x0  }
0x12: {  	s1 =	sld [smem:$0x3F9B];
	s0 =	simm.s32 @p0 $0x1  }
0x13: {  	[smem:$0x3FB6] =	sst s0;
	s0 =	simm.s32 @!p1 $0x0  }
0x14: {  	s2 =	sld [smem:$0x3F9A];
	s0 =	simm.s32 @p1 $0x1  }
0x15: {  	[smem:$0x3FB7] =	sst s0;
	s0 =	simm.s32 @!p2 $0x0  }
0x16: {  	s3 =	sld [smem:$0x3FDB];
	s0 =	simm.s32 @p2 $0x1  }
0x17: {  	s4 =	simm.s32 $0x1BF5;
	[smem:$0x3FB9] =	sst s0  }
0x18: {  	s0 =	sld [smem:$0x3F9C];
	_ =	swait.ge [sflag:s4], $0x0  }
0x19: {  	s7 =	sld [smem:$0x3F9D]  }
0x1a: {  	s8 =	sadd.s32 $0xFFFFE003, lr  }
0x1b: {  	s9 =	sadd.s32 $0xFFFFFEF7, lr;
	s5 =	simm.s32 $0xFFFFFFFF;
	p2 =	slt.u32 s8, $0xFFFFF086  }
0x1c: {  	p1 =	slt.u32 s9, $0xF7A;
	s5 =	simm.s32 @!p2 $0x0  }
0x1d: {  	s5 =	simm.s32 @p1 $0x1;
	p0 =	seq.s32 s7, s2  }
0x1e: {  	s7 =	smul.u32 @!p0 $0xF7A, s2;
	p2 =	seq.s32 @!p0 s5, $0x0  }
0x1f: {  	s9 =	smul.u32 $0xF7A, s1;
	s8 =	simm.s32 @!p0 $0x1BF5;
	p2 =	por !p2, p0  }
0x20: {  	[sflag:s8] =	ssyncset.s32 @!p0 $0xFFFFF086;
	s6 =	sadd.s32 @!p0 s3, s7;
	s7 =	simm.s32 @!p0 $0x108  }
0x21: {  	s3 =	sadd.s32 s3, s9;
	s6 =	sadd.s32 @!p0 $0x88, s6;
	s7 =	simm.s32 @p2 $0x1082  }
0x22: {  	[simem:s7], [sflag:s8] =	dma.local @!p0 [hbm:s6], $0xF7A  }
0x23: {  	s9 =	sor.u32 $0xD0000000, s2;
	s6 =	simm.s32 $0x108;
	_ =	swait.ge @!p0 [sflag:s8], $0x0  }
0x24: {  	s3 =	sadd.s32 $0x88, s3;
	s6 =	simm.s32 @!p1 $0x1082;
	[sflag:s4] =	ssyncset.s32 $0xFFFFF086  }
0x25: {  	[simem:s6], [sflag:s4] =	dma.local [hbm:s3], $0xF7A  }
0x26: {  	[smem:$0x3F9D] =	sst s1;
	(tag) =	ssettag s2;
	_ =	strace s9  }
0x27: {  	s1 =	sld [smem:$0x3FAD]  }
0x28: {  	s2 =	sld [smem:$0x3FAE]  }
0x29: {  	s4 =	sld [smem:$0x3FB0]  }
0x2a: {  	p0 =	seq.s32 s5, $0x0;
	s5 =	sld [smem:$0x3FB1]  }
0x2b: {  	s6 =	sld [smem:$0x3FB2]  }
0x2c: {  	s7 =	sld [smem:$0x3FB3]  }
0x2d: {  	s3 =	simm.s32 $0x108;
	s8 =	sld [smem:$0x3FB4]  }
0x2e: {  	s3 =	simm.s32 @!p0 $0x1082;
	s9 =	sld [smem:$0x3FB5]  }
0x2f: {  	lr =	sadd.s32 s0, s3;
	s0 =	sld [smem:$0x3FAC]  }
0x30: {  	s3 =	sld [smem:$0x3FAF]  }
0x31: {  	[smem:$0x3FB8] =	sst s10  }
0x32: {  	s10 =	sld [smem:$0x3FB6];
	_ =	sdelay $0x3  }
0x33: {  	p0 =	seq.s32 s10, $0x1;
	s10 =	sld [smem:$0x3FB8];
	_ =	sdelay $0x3  }
0x34: {  	[smem:$0x3FB8] =	sst s10  }
0x35: {  	s10 =	sld [smem:$0x3FB7];
	_ =	sdelay $0x3  }
0x36: {  	p1 =	seq.s32 s10, $0x1;
	s10 =	sld [smem:$0x3FB8];
	_ =	sdelay $0x3  }
0x37: {  	[smem:$0x3FB8] =	sst s10  }
0x38: {  	s10 =	sld [smem:$0x3FB9]  }
0x39: {  	_ = 	snop;
	(pc) =	sbr.ind lr, $3  }
0x3a: {  	_ = 	snop  }
0x3b: {  	_ = 	snop  }
0x3c: {  	p2 =	seq.s32 s10, $0x1;
	s10 =	sld [smem:$0x3FB8]  }
0x3d: {  	_ =	shalt  }
0x3e: {  	_ =	shalt  }
0x3f: {  	_ =	shalt  }
0x40: {  	_ =	shalt  }
0x41: {  	_ =	shalt  }
0x42: {  	_ =	shalt  }
0x43: {  	_ =	shalt  }
0x44: {  	_ =	shalt  }
0x45: {  	_ =	shalt  }
0x46: {  	_ =	shalt  }
0x47: {  	_ =	shalt  }
0x48: {  	_ =	shalt  }
0x49: {  	_ =	shalt  }
0x4a: {  	_ =	shalt  }
0x4b: {  	_ =	shalt  }
0x4c: {  	_ =	shalt  }
0x4d: {  	_ =	shalt  }
0x4e: {  	_ =	shalt  }
0x4f: {  	_ =	shalt  }
0x50: {  	_ =	shalt  }
0x51: {  	_ =	shalt  }
0x52: {  	_ =	shalt  }
0x53: {  	_ =	shalt  }
0x54: {  	_ =	shalt  }
0x55: {  	_ =	shalt  }
0x56: {  	_ =	shalt  }
0x57: {  	_ =	shalt  }
0x58: {  	_ =	shalt  }
0x59: {  	_ =	shalt  }
0x5a: {  	_ =	shalt  }
0x5b: {  	_ =	shalt  }
0x5c: {  	_ =	shalt  }
0x5d: {  	_ =	shalt  }
0x5e: {  	_ =	shalt  }
0x5f: {  	_ =	shalt  }
0x60: {  	_ =	shalt  }
0x61: {  	_ =	shalt  }
0x62: {  	_ =	shalt  }
0x63: {  	_ =	shalt  }
0x64: {  	_ =	shalt  }
0x65: {  	_ =	shalt  }
0x66: {  	_ =	shalt  }
0x67: {  	_ =	shalt  }
0x68: {  	_ =	shalt  }
0x69: {  	_ =	shalt  }
0x6a: {  	_ =	shalt  }
0x6b: {  	_ =	shalt  }
0x6c: {  	_ =	shalt  }
0x6d: {  	_ =	shalt  }
0x6e: {  	_ =	shalt  }
0x6f: {  	_ =	shalt  }
0x70: {  	_ =	shalt  }
0x71: {  	_ =	shalt  }
0x72: {  	_ =	shalt  }
0x73: {  	_ =	shalt  }
0x74: {  	_ =	shalt  }
0x75: {  	_ =	shalt  }
0x76: {  	_ =	shalt  }
0x77: {  	_ =	shalt  }
0x78: {  	_ =	shalt  }
0x79: {  	_ =	shalt  }
0x7a: {  	_ =	shalt  }
0x7b: {  	_ =	shalt  }
0x7c: {  	_ =	shalt  }
0x7d: {  	_ =	shalt  }
0x7e: {  	_ =	shalt  }
0x7f: {  	_ =	shalt  }
0x80: {  	_ =	shalt  }
0x81: {  	_ =	shalt  }
0x82: {  	_ =	shalt  }
0x83: {  	_ =	shalt  }
0x84: {  	_ =	shalt  }
0x85: {  	_ =	shalt  }
0x86: {  	_ =	shalt  }
0x87: {  	_ =	shalt  }
.Lfunc_end0:
.L_simem_size_0:
called_computation_lowered:
.L_overlay_start_0:
0x88: {  	s2 =	sld [smem:$0x3FD9]  }
0x89: {  	s3 =	sld [smem:$0x3FFE];
	_ =	sdelay $0x1  }
0x8a: {  	s1 =	srdreg.scid  }
0x8b: {  	s0 =	sand.u32 $0x1, s1  }
0x8c: {  	s17 =	sshll.u32 s0, $0xA;
	s2 =	sadd.s32 s3, s2  }
0x8d: {  	s2 =	sadd.s32 s2, s17  }
0x8e: {  	[smem:$0x3FC4] =	sst s2  }
0x8f: {  	_ = 	snop  }
0x90: {  	s2 =	sld [smem:$0x3FD0];
	(tm) =	ssettm $0x1  }
0x91: {  	s18 =	sld [smem:$0x3FFB];
	_ =	sdelay $0x3  }
0x92: {  	_ =	strace s18  }
0x93: {  	s3 =	sld [smem:$0x3FFC];
	_ =	sdelay $0x3  }
0x94: {  	_ =	strace s3  }
0x95: {  	s3 =	sld [smem:$0x3FFD];
	_ =	sdelay $0x3  }
0x96: {  	_ =	strace s3  }
0x97: {  	_ =	strace $0x8FFFFFFF  }
0x98: {  	s19 =	sld [smem:$0x3FDB];
	_ =	sdelay $0x1  }
0x99: {  	s4 =	simm.s32 $_scs_section_size  }
0x9a: {  	s5 =	simm.s32 $_size__tile_overlayer_lowered;
	s6 =	simm.s32 $_tile_overlayer_lowered  }
0x9b: {  	s22 =	simm.s32 $0x1BFF;
	s21 =	sshll.u32 s6, $0x1;
	s3 =	sadd.s32 s4, s19  }
0x9c: {  	s7 =	simm.s32 $0x0;
	s20 =	sshll.u32 s5, $0x1;
	s5 =	sadd.s32 s21, s3  }
0x9d: {  	[timem:s7], [sflag:s22] =	dma.local [hbm:s5], s20  }
0x9e: {  	_ =	swait.ge [sflag:s22], s20  }
0x9f: {  	s4 =	ssub.s32 $0x0, s20;
	[sflag:s22] =	ssyncset.done $0x0  }
0xa0: {  	[sflag:s22] =	ssyncadd.s32 s4;
	_ =	sdelay $0x1  }
0xa1: {  	s23 =	simm.s32 $0x1B8B  }
0xa2: {  	_ =	swait.ge [sflag:s23], $0x1  }
0xa3: {  	[sflag:s23] =	ssyncset.done $0x0  }
0xa4: {  	s25 =	simm.s32 $0x1B8E;
	s24 =	sld [smem:$0x3FFE];
	[sflag:s23] =	ssyncadd.s32 $0xFFFFFFFF  }
0xa5: {  	s26 =	simm.s32 $execute0_lowered;
	[smem:$0x3FD2] =	sst s25  }
0xa6: {  	s5 =	sshll.u32 s26, $0x1;
	_ =	strace $0x80000046;
	[dreg:$0x1] =	wrdreg $0xFFFFFFFF  }
0xa7: {  	s28 =	simm.s32 $_size_execute0_lowered;
	s3 =	sadd.s32 s3, s5;
	[dreg:$0x0] =	wrdreg $0x0  }
0xa8: {  	s5 =	sshll.u32 s28, $0x1;
	[dreg:$0x2] =	wrdreg s3  }
0xa9: {  	[dreg:$0x3] =	wrdreg s5  }
0xaa: {  	[dreg:$0x4] =	wrdreg $0xC0  }
0xab: {  	_ =	task [dreg:s7], $0x5FFFF  }
0xac: {  	[dreg:$0x1] =	wrdreg $0xFFFFFFFF  }
0xad: {  	[dreg:$0x0] =	wrdreg $0x60  }
0xae: {  	[dreg:$0x2] =	wrdreg s2  }
0xaf: {  	[dreg:$0x3] =	wrdreg s24  }
0xb0: {  	[dreg:$0x4] =	wrdreg $0x6C000  }
0xb1: {  	[dreg:$0x5] =	wrdreg $0x9  }
0xb2: {  	_ =	task.clear_ibuf [dreg:s7], $0x6FFFF;
	_ =	strace $0x90000046  }
0xb3: {  	s29 =	simm.s32 $0x9;
	_ =	strace $0x80000048  }
0xb4: {  	_ =	swait.ge [sflag:s29], $0x1  }
0xb5: {  	[sflag:s29] =	ssyncadd.s32 $0xFFFFFFFF  }
0xb6: {  	_ =	strace $0x90000048  }
0xb7: {  	_ =	sfence  }
0xb8: {  	s30 =	sld [smem:$0x0];
	_ =	sdelay $0x2  }
0xb9: {  	s31 =	sshll.u32 s1, $0xD;
	s1 =	sshrl.u32 s1, $0x2  }
0xba: {  	s3 =	sand.u32 $0x4000, s31;
	s1 =	sadd.s32 s1, s30  }
0xbb: {  	s0 =	sor.u32 s3, s0;
	s1 =	sshll.u32 s1, $0x11  }
0xbc: {  	s0 =	sor.u32 s1, s0  }
0xbd: {  	s0 =	sadd.s32 $0x8F2B, s0  }
0xbe: {  	[sflag:s0] =	ssyncadd.remote.s32 $0x1  }
0xbf: {  	_ =	sfence.sel $0xFFFF  }
0xc0: {  	[dreg:$0x0] =	wrdreg $0xFFFFFFFF;
	(pc) =	sbr.abs _section_cstart, $3  }
0xc1: {  	[dreg:$0x1] =	wrdreg $0xFFFFFFFF  }
0xc2: {  	_ =	task.clear_ibuf [dreg:s7], $0x2FFFF;
	_ =	strace $0x9FFFFFFF  }
0xc3: {  	(tm) =	ssettm $0x7FFFFFFF  }
tec
execute0_lowered:
.L_overlay_start_1:
0x0: {  	(tag) =	ssettag $0x1  }
0x1: {  	s7 =	rddreg [dreg:$0x0]  }
0x2: {  	s6 =	rddreg [dreg:$0x1]  }
0x3: {  	s2 =	rddreg [dreg:$0x2]  }
0x4: {  	s0 =	rddreg [dreg:$0x3];
	s3 =	simm.s32 $0x0  }
0x5: {  	s1 =	stileid.u32;
	s8 =	srdreg.scid;
	s12 =	simm.s32 $0x2C00  }
0x6: {  	s13 =	simm.s32 $0x80;
	s14 =	simm.s32 $0x0;
	s5 =	smul.u32 $0x14000, s1  }
0x7: {  	[smem:$0x7FF] =	sst s3;
	s4 =	sadd.s32 $0x2200, s6;
	s9 =	smul.u32 $0x2800, s1  }
0x8: {  	s8 =	sand.u32 $0x1, s8;
	s28 =	smul.u32 $0x50000, s1;
	s11 =	sshll.u32 s1, $0x1  }
0x9: {  	s31 =	sshll.u32 s1, $0x6;
	_ =	strace $0x80000047;
	p0 =	seq.s32 s8, $0x1  }
0xa: {  	s29 =	ssub.s32 $0x2, s8;
	s8 =	sor.u32 s8, s11;
	s10 =	sshrl.u32 s5, $0x3  }
0xb: {  	s30 =	sshrl.u32 s29, $0x1;
	s8 =	smul.u32 $0x580, s8;
	s10 =	sadd.s32 $0x28000, s10  }
0xc: {  	s5 =	sadd.s32 $0x4A00, s6;
	s11 =	ssub.s32 s29, s30;
	s9 =	smov.u32 @p0 s10  }
0xd: {  	s10 =	sshrl.u32 s28, $0x2;
	s7 =	sadd.s32 s7, s8;
	s8 =	smax.u32 s11, $0x1  }
0xe: {  	s11 =	simm.s32 $0x1;
	s9 =	sadd.s32 s9, s6;
	s10 =	sadd.s32 s10, s2  }
0xf: {  	s6 =	sor.u32 $0x1C01, s31;
	s9 =	sadd.s32 $0x5200, s9;
	s10 =	sshrl.u32 s10, $0x3  }
.LBB2_1:
0x10: {  	[spmem:s10], [sflag:s6] =	dma.local [hbm:s4], $0x2800  }
0x11: {  	_ =	swait.ge [sflag:s11], $0x2800  }
0x12: {  	[sflag:s11] =	ssyncset.done $0x0  }
0x13: {  	[sflag:s11] =	ssyncadd.s32 $0xFFFFD800  }
0x14: {  	[tilespmem:s12], [sflag:$0x1] =	stream.linear.gather [hbm4b:s5+s3], $0x4000, $0x38;
	[tilespmem:$0x9400] =	vst v63  }
0x15: {  	_ =	swait.ge [sflag:s11], $0x4000  }
0x16: {  	[sflag:s11] =	ssyncset.done $0x0  }
0x17: {  	[sflag:s11] =	ssyncadd.s32 $0xFFFFC000  }
0x18: {  	[bflag:$0x0] =	sbarrier.arrive $0xFFFF  }
0x19: {  	[tilespmem:s3], [sflag:$0x1] =	stream.linear.gather [hbm4b:s7+s3], $0x2C00, $0x38;
	[tilespmem:$0x9400] =	vst v63  }
0x1a: {  	_ =	swait.ge [sflag:s11], $0x2C00  }
0x1b: {  	[sflag:s11] =	ssyncset.done $0x0  }
0x1c: {  	s15 =	simm.s32 $0x0;
	[sflag:s11] =	ssyncadd.s32 $0xFFFFD400  }
0x1d: {  	[spmem:s2] =	stream.indirect.scatter.add.f32 [tilespmem:s12], [sflag:$0x1], $0x10, s15, s13, $0xb8;
	[tilespmem:$0x9400] =	vst v63  }
0x1e: {  	_ =	swait.ge [sflag:s11], $0x800  }
0x1f: {  	s15 =	simm.s32 $0x200;
	[sflag:s11] =	ssyncset.done $0x0  }
.LBB2_2:
0x20: {  	s16 =	sshra.s32 s15, $0x2;
	[sflag:s11] =	ssyncadd.s32 $0xFFFFF800;
	p0 =	sne.s32 s15, $0xAE00  }
0x21: {  	[spmem:s2] =	stream.indirect.scatter.add.f32 [tilespmem:s12], [sflag:$0x1], $0x10, s16, s13, $0xb8;
	[tilespmem:$0x9400] =	vst v63  }
.Ltmp0:
0x22: {  	_ = 	snop;
	(pc) =	sbr.rel @p0 .LBB2_2-.Ltmp0, $4  }
0x23: {  	_ = 	snop  }
0x24: {  	s15 =	sadd.s32 $0x200, s15  }
0x25: {  	_ =	swait.ge [sflag:s11], $0x800  }
0x26: {  	[sflag:s11] =	ssyncset.done $0x0  }
0x27: {  	s14 =	sadd.s32 $0x1, s14  }
0x28: {  	[sflag:s11] =	ssyncadd.s32 $0xFFFFF800;
	p0 =	sne.s32 s14, s8  }
.Ltmp1:
0x29: {  	[bflag:$0x0] =	sbarrier.arrive $0xFFFF;
	(pc) =	sbr.rel @p0 .LBB2_1-.Ltmp1, $4  }
0x2a: {  	[hbm:s9], [sflag:s6] =	dma.local [spmem:s10], $0x2800  }
0x2b: {  	_ =	swait.ge [sflag:s11], $0x2800  }
0x2c: {  	[sflag:s11] =	ssyncset.done $0x0  }
0x2d: {  	[sflag:s11] =	ssyncadd.s32 $0xFFFFD800  }
0x2e: {  	_ =	sfence.sel $0x180000  }
0x2f: {  	[bflag:$0x0] =	sbarrier.arrive $0xFFFF  }
0x30: {  	p0 =	sne.s32 s1, $0x0;
	_ =	strace $0x90000047  }
0x31: {  	s0 =	sadd.s32 @!p0 $0x100000, s0;
	[bflag:$0x2] =	sbarrier.arrive $0xFFFF  }
0x32: {  	[sflag:s0] =	ssyncadd.tile.s32 @!p0 $0x1;
	_ =	shalt  }
.Lfunc_end2:
_tile_overlayer_lowered:
.L_overlay_start_2:
0x33: {  	(tag) =	ssettag $0x2  }
0x34: {  	s0 =	rddreg [dreg:$0x0];
	s2 =	stileid.u32  }
0x35: {  	s1 =	rddreg [dreg:$0x1];
	p0 =	sne.s32 s2, $0x0  }
0x36: {  	s3 =	rddreg [dreg:$0x2];
	[bflag:$0x3] =	sbarrier.arrive $0xFFFF;
	s2 =	simm.s32 @!p0 $0x1C01  }
0x37: {  	[timem:s3], [sflag:s2] =	dma.local @!p0 [hbm:s0], s1  }
0x38: {  	s0 =	simm.s32 @!p0 $0x1  }
0x39: {  	_ =	swait.ge @!p0 [sflag:s0], s1  }
0x3a: {  	s1 =	ssub.s32 @!p0 $0x0, s1;
	[sflag:s0] =	ssyncset.done @!p0 $0x0  }
0x3b: {  	[sflag:s0] =	ssyncadd.s32 @!p0 s1  }
0x3c: {  	[bflag:$0x3] =	sbarrier.arrive $0xFFFF  }
0x3d: {  	_ =	shalt  }

// kernel: kernel.13.cloned.1.call-start
scs
__scs_entry_jumppad:
0x0: {  	(pc) =	sbr.rel $0x88, $3  }
0x1: {  	(tag) =	ssettag $0x0;
	lr =	simm.s32 $0x1  }
0x2: {  	[smem:$0x3F9D] =	sst lr;
	_ =	strace $0xD0000000  }
0x3: {  	_ = 	snop  }
0x4: {  	_ = 	snop  }
0x5: {  	_ = 	snop  }
0x6: {  	_ = 	snop  }
0x7: {  	_ = 	snop  }
__scs_overlays_trampoline_lowered:
0x8: {  	[smem:$0x3FAC] =	sst s0  }
0x9: {  	[smem:$0x3FAD] =	sst s1  }
0xa: {  	[smem:$0x3FAE] =	sst s2  }
0xb: {  	[smem:$0x3FAF] =	sst s3  }
0xc: {  	[smem:$0x3FB0] =	sst s4  }
0xd: {  	[smem:$0x3FB1] =	sst s5  }
0xe: {  	[smem:$0x3FB2] =	sst s6  }
0xf: {  	[smem:$0x3FB3] =	sst s7  }
0x10: {  	[smem:$0x3FB4] =	sst s8  }
0x11: {  	[smem:$0x3FB5] =	sst s9;
	s0 =	simm.s32 @!p0 $0x0  }
0x12: {  	s1 =	sld [smem:$0x3F9B];
	s0 =	simm.s32 @p0 $0x1  }
0x13: {  	[smem:$0x3FB6] =	sst s0;
	s0 =	simm.s32 @!p1 $0x0  }
0x14: {  	s2 =	sld [smem:$0x3F9A];
	s0 =	simm.s32 @p1 $0x1  }
0x15: {  	[smem:$0x3FB7] =	sst s0;
	s0 =	simm.s32 @!p2 $0x0  }
0x16: {  	s3 =	sld [smem:$0x3FDB];
	s0 =	simm.s32 @p2 $0x1  }
0x17: {  	s4 =	simm.s32 $0x1BF5;
	[smem:$0x3FB9] =	sst s0  }
0x18: {  	s0 =	sld [smem:$0x3F9C];
	_ =	swait.ge [sflag:s4], $0x0  }
0x19: {  	s7 =	sld [smem:$0x3F9D]  }
0x1a: {  	s8 =	sadd.s32 $0xFFFFE003, lr  }
0x1b: {  	s9 =	sadd.s32 $0xFFFFFEF7, lr;
	s5 =	simm.s32 $0xFFFFFFFF;
	p2 =	slt.u32 s8, $0xFFFFF086  }
0x1c: {  	p1 =	slt.u32 s9, $0xF7A;
	s5 =	simm.s32 @!p2 $0x0  }
0x1d: {  	s5 =	simm.s32 @p1 $0x1;
	p0 =	seq.s32 s7, s2  }
0x1e: {  	s7 =	smul.u32 @!p0 $0xF7A, s2;
	p2 =	seq.s32 @!p0 s5, $0x0  }
0x1f: {  	s9 =	smul.u32 $0xF7A, s1;
	s8 =	simm.s32 @!p0 $0x1BF5;
	p2 =	por !p2, p0  }
0x20: {  	[sflag:s8] =	ssyncset.s32 @!p0 $0xFFFFF086;
	s6 =	sadd.s32 @!p0 s3, s7;
	s7 =	simm.s32 @!p0 $0x108  }
0x21: {  	s3 =	sadd.s32 s3, s9;
	s6 =	sadd.s32 @!p0 $0x88, s6;
	s7 =	simm.s32 @p2 $0x1082  }
0x22: {  	[simem:s7], [sflag:s8] =	dma.local @!p0 [hbm:s6], $0xF7A  }
0x23: {  	s9 =	sor.u32 $0xD0000000, s2;
	s6 =	simm.s32 $0x108;
	_ =	swait.ge @!p0 [sflag:s8], $0x0  }
0x24: {  	s3 =	sadd.s32 $0x88, s3;
	s6 =	simm.s32 @!p1 $0x1082;
	[sflag:s4] =	ssyncset.s32 $0xFFFFF086  }
0x25: {  	[simem:s6], [sflag:s4] =	dma.local [hbm:s3], $0xF7A  }
0x26: {  	[smem:$0x3F9D] =	sst s1;
	(tag) =	ssettag s2;
	_ =	strace s9  }
0x27: {  	s1 =	sld [smem:$0x3FAD]  }
0x28: {  	s2 =	sld [smem:$0x3FAE]  }
0x29: {  	s4 =	sld [smem:$0x3FB0]  }
0x2a: {  	p0 =	seq.s32 s5, $0x0;
	s5 =	sld [smem:$0x3FB1]  }
0x2b: {  	s6 =	sld [smem:$0x3FB2]  }
0x2c: {  	s7 =	sld [smem:$0x3FB3]  }
0x2d: {  	s3 =	simm.s32 $0x108;
	s8 =	sld [smem:$0x3FB4]  }
0x2e: {  	s3 =	simm.s32 @!p0 $0x1082;
	s9 =	sld [smem:$0x3FB5]  }
0x2f: {  	lr =	sadd.s32 s0, s3;
	s0 =	sld [smem:$0x3FAC]  }
0x30: {  	s3 =	sld [smem:$0x3FAF]  }
0x31: {  	[smem:$0x3FB8] =	sst s10  }
0x32: {  	s10 =	sld [smem:$0x3FB6];
	_ =	sdelay $0x3  }
0x33: {  	p0 =	seq.s32 s10, $0x1;
	s10 =	sld [smem:$0x3FB8];
	_ =	sdelay $0x3  }
0x34: {  	[smem:$0x3FB8] =	sst s10  }
0x35: {  	s10 =	sld [smem:$0x3FB7];
	_ =	sdelay $0x3  }
0x36: {  	p1 =	seq.s32 s10, $0x1;
	s10 =	sld [smem:$0x3FB8];
	_ =	sdelay $0x3  }
0x37: {  	[smem:$0x3FB8] =	sst s10  }
0x38: {  	s10 =	sld [smem:$0x3FB9]  }
0x39: {  	_ = 	snop;
	(pc) =	sbr.ind lr, $3  }
0x3a: {  	_ = 	snop  }
0x3b: {  	_ = 	snop  }
0x3c: {  	p2 =	seq.s32 s10, $0x1;
	s10 =	sld [smem:$0x3FB8]  }
0x3d: {  	_ =	shalt  }
0x3e: {  	_ =	shalt  }
0x3f: {  	_ =	shalt  }
0x40: {  	_ =	shalt  }
0x41: {  	_ =	shalt  }
0x42: {  	_ =	shalt  }
0x43: {  	_ =	shalt  }
0x44: {  	_ =	shalt  }
0x45: {  	_ =	shalt  }
0x46: {  	_ =	shalt  }
0x47: {  	_ =	shalt  }
0x48: {  	_ =	shalt  }
0x49: {  	_ =	shalt  }
0x4a: {  	_ =	shalt  }
0x4b: {  	_ =	shalt  }
0x4c: {  	_ =	shalt  }
0x4d: {  	_ =	shalt  }
0x4e: {  	_ =	shalt  }
0x4f: {  	_ =	shalt  }
0x50: {  	_ =	shalt  }
0x51: {  	_ =	shalt  }
0x52: {  	_ =	shalt  }
0x53: {  	_ =	shalt  }
0x54: {  	_ =	shalt  }
0x55: {  	_ =	shalt  }
0x56: {  	_ =	shalt  }
0x57: {  	_ =	shalt  }
0x58: {  	_ =	shalt  }
0x59: {  	_ =	shalt  }
0x5a: {  	_ =	shalt  }
0x5b: {  	_ =	shalt  }
0x5c: {  	_ =	shalt  }
0x5d: {  	_ =	shalt  }
0x5e: {  	_ =	shalt  }
0x5f: {  	_ =	shalt  }
0x60: {  	_ =	shalt  }
0x61: {  	_ =	shalt  }
0x62: {  	_ =	shalt  }
0x63: {  	_ =	shalt  }
0x64: {  	_ =	shalt  }
0x65: {  	_ =	shalt  }
0x66: {  	_ =	shalt  }
0x67: {  	_ =	shalt  }
0x68: {  	_ =	shalt  }
0x69: {  	_ =	shalt  }
0x6a: {  	_ =	shalt  }
0x6b: {  	_ =	shalt  }
0x6c: {  	_ =	shalt  }
0x6d: {  	_ =	shalt  }
0x6e: {  	_ =	shalt  }
0x6f: {  	_ =	shalt  }
0x70: {  	_ =	shalt  }
0x71: {  	_ =	shalt  }
0x72: {  	_ =	shalt  }
0x73: {  	_ =	shalt  }
0x74: {  	_ =	shalt  }
0x75: {  	_ =	shalt  }
0x76: {  	_ =	shalt  }
0x77: {  	_ =	shalt  }
0x78: {  	_ =	shalt  }
0x79: {  	_ =	shalt  }
0x7a: {  	_ =	shalt  }
0x7b: {  	_ =	shalt  }
0x7c: {  	_ =	shalt  }
0x7d: {  	_ =	shalt  }
0x7e: {  	_ =	shalt  }
0x7f: {  	_ =	shalt  }
0x80: {  	_ =	shalt  }
0x81: {  	_ =	shalt  }
0x82: {  	_ =	shalt  }
0x83: {  	_ =	shalt  }
0x84: {  	_ =	shalt  }
0x85: {  	_ =	shalt  }
0x86: {  	_ =	shalt  }
0x87: {  	_ =	shalt  }
.Lfunc_end0:
.L_simem_size_0:
called_computation.1_lowered:
.L_overlay_start_0:
0x88: {  	s2 =	sld [smem:$0x3FD9]  }
0x89: {  	s3 =	sld [smem:$0x3FFE];
	_ =	sdelay $0x1  }
0x8a: {  	s1 =	srdreg.scid  }
0x8b: {  	s0 =	sand.u32 $0x1, s1  }
0x8c: {  	s17 =	sshll.u32 s0, $0xA;
	s2 =	sadd.s32 s3, s2  }
0x8d: {  	s2 =	sadd.s32 s2, s17  }
0x8e: {  	[smem:$0x3FC4] =	sst s2  }
0x8f: {  	_ = 	snop  }
0x90: {  	s2 =	sld [smem:$0x3FD0];
	(tm) =	ssettm $0x1  }
0x91: {  	s18 =	sld [smem:$0x3FFB];
	_ =	sdelay $0x3  }
0x92: {  	_ =	strace s18  }
0x93: {  	s3 =	sld [smem:$0x3FFC];
	_ =	sdelay $0x3  }
0x94: {  	_ =	strace s3  }
0x95: {  	s3 =	sld [smem:$0x3FFD];
	_ =	sdelay $0x3  }
0x96: {  	_ =	strace s3  }
0x97: {  	_ =	strace $0x8FFFFFFF  }
0x98: {  	s19 =	sld [smem:$0x3FDB];
	_ =	sdelay $0x1  }
0x99: {  	s4 =	simm.s32 $_scs_section_size  }
0x9a: {  	s5 =	simm.s32 $_size__tile_overlayer_lowered;
	s6 =	simm.s32 $_tile_overlayer_lowered  }
0x9b: {  	s22 =	simm.s32 $0x1BFF;
	s21 =	sshll.u32 s6, $0x1;
	s3 =	sadd.s32 s4, s19  }
0x9c: {  	s7 =	simm.s32 $0x0;
	s20 =	sshll.u32 s5, $0x1;
	s5 =	sadd.s32 s21, s3  }
0x9d: {  	[timem:s7], [sflag:s22] =	dma.local [hbm:s5], s20  }
0x9e: {  	_ =	swait.ge [sflag:s22], s20  }
0x9f: {  	s4 =	ssub.s32 $0x0, s20;
	[sflag:s22] =	ssyncset.done $0x0  }
0xa0: {  	[sflag:s22] =	ssyncadd.s32 s4;
	_ =	sdelay $0x1  }
0xa1: {  	s23 =	simm.s32 $0x1B8B  }
0xa2: {  	_ =	swait.ge [sflag:s23], $0x1  }
0xa3: {  	[sflag:s23] =	ssyncset.done $0x0  }
0xa4: {  	s25 =	simm.s32 $0x1B8E;
	s24 =	sld [smem:$0x3FFE];
	[sflag:s23] =	ssyncadd.s32 $0xFFFFFFFF  }
0xa5: {  	s26 =	simm.s32 $execute0_lowered;
	[smem:$0x3FD2] =	sst s25  }
0xa6: {  	s5 =	sshll.u32 s26, $0x1;
	_ =	strace $0x80000049;
	[dreg:$0x1] =	wrdreg $0xFFFFFFFF  }
0xa7: {  	s28 =	simm.s32 $_size_execute0_lowered;
	s3 =	sadd.s32 s3, s5;
	[dreg:$0x0] =	wrdreg $0x0  }
0xa8: {  	s5 =	sshll.u32 s28, $0x1;
	[dreg:$0x2] =	wrdreg s3  }
0xa9: {  	[dreg:$0x3] =	wrdreg s5  }
0xaa: {  	[dreg:$0x4] =	wrdreg $0xC0  }
0xab: {  	_ =	task [dreg:s7], $0x5FFFF  }
0xac: {  	[dreg:$0x1] =	wrdreg $0xFFFFFFFF  }
0xad: {  	[dreg:$0x0] =	wrdreg $0x60  }
0xae: {  	[dreg:$0x2] =	wrdreg s24  }
0xaf: {  	[dreg:$0x3] =	wrdreg s2  }
0xb0: {  	[dreg:$0x4] =	wrdreg $0x48000  }
0xb1: {  	[dreg:$0x5] =	wrdreg $0x9  }
0xb2: {  	_ =	task.clear_ibuf [dreg:s7], $0x6FFFF;
	_ =	strace $0x90000049  }
0xb3: {  	s29 =	simm.s32 $0x9;
	_ =	strace $0x8000004B  }
0xb4: {  	_ =	swait.ge [sflag:s29], $0x1  }
0xb5: {  	[sflag:s29] =	ssyncadd.s32 $0xFFFFFFFF  }
0xb6: {  	_ =	strace $0x9000004B  }
0xb7: {  	_ =	sfence  }
0xb8: {  	s30 =	sld [smem:$0x0];
	_ =	sdelay $0x2  }
0xb9: {  	s31 =	sshll.u32 s1, $0xD;
	s1 =	sshrl.u32 s1, $0x2  }
0xba: {  	s3 =	sand.u32 $0x4000, s31;
	s1 =	sadd.s32 s1, s30  }
0xbb: {  	s0 =	sor.u32 s3, s0;
	s1 =	sshll.u32 s1, $0x11  }
0xbc: {  	s0 =	sor.u32 s1, s0  }
0xbd: {  	s0 =	sadd.s32 $0x8F2B, s0  }
0xbe: {  	[sflag:s0] =	ssyncadd.remote.s32 $0x1  }
0xbf: {  	_ =	sfence.sel $0xFFFF  }
0xc0: {  	[dreg:$0x0] =	wrdreg $0xFFFFFFFF;
	(pc) =	sbr.abs _section_cstart, $3  }
0xc1: {  	[dreg:$0x1] =	wrdreg $0xFFFFFFFF  }
0xc2: {  	_ =	task.clear_ibuf [dreg:s7], $0x2FFFF;
	_ =	strace $0x9FFFFFFF  }
0xc3: {  	(tm) =	ssettm $0x7FFFFFFF  }
tec
execute0_lowered:
.L_overlay_start_1:
0x0: {  	(tag) =	ssettag $0x1  }
0x1: {  	s0 =	rddreg [dreg:$0x0]  }
0x2: {  	s1 =	rddreg [dreg:$0x1]  }
0x3: {  	s2 =	rddreg [dreg:$0x2];
	s3 =	simm.s32 $0x0;
	s13 =	stileid.u32  }
0x4: {  	s6 =	srdreg.scid;
	s14 =	simm.s32 $0x80;
	s15 =	simm.s32 $0x800  }
0x5: {  	s16 =	simm.s32 $0x480;
	s17 =	simm.s32 $0x100;
	s18 =	simm.s32 $0x500  }
0x6: {  	s28 =	simm.s32 $0x380;
	s29 =	simm.s32 $0x780;
	s9 =	smul.u32 $0xB00, s13  }
0x7: {  	s30 =	simm.s32 $0x0;
	[smem:$0x7FF] =	sst s3;
	s5 =	smul.u32 $0x14000, s13  }
0x8: {  	s4 =	sadd.s32 $0x2200, s0;
	s6 =	sand.u32 $0x1, s6;
	s7 =	smul.u32 $0x2800, s13  }
0x9: {  	s12 =	smul.u32 $0x50000, s13;
	s19 =	sadd.s32 $0x2A200, s0;
	s22 =	sshll.u32 s13, $0x6  }
0xa: {  	s13 =	simm.s32 $0x400;
	_ =	strace $0x8000004A;
	p0 =	seq.s32 s6, $0x1  }
0xb: {  	s8 =	ssub.s32 $0x2, s6;
	[dreg:$0x4] =	wrdreg s19;
	s23 =	smul.u32 $0x580, s6  }
0xc: {  	s6 =	sor.u32 $0x1C01, s22;
	s19 =	simm.s32 $0x180;
	s22 =	simm.s32 $0x600  }
0xd: {  	s10 =	sadd.s32 s9, s0;
	s5 =	sshrl.u32 s5, $0x3;
	s11 =	sshrl.u32 s8, $0x1  }
0xe: {  	s21 =	sshrl.u32 s12, $0x2;
	s26 =	sadd.s32 s9, s1;
	s12 =	simm.s32 $0x1  }
0xf: {  	s5 =	sadd.s32 $0x28000, s5;
	s20 =	ssub.s32 s8, s11;
	s24 =	sadd.s32 s21, s2  }
0x10: {  	s31 =	sadd.s32 s23, s10;
	s9 =	sadd.s32 s23, s26;
	s21 =	simm.s32 $0x200  }
0x11: {  	s23 =	simm.s32 $0x280;
	s26 =	simm.s32 $0x700;
	s7 =	smov.u32 @p0 s5  }
0x12: {  	s25 =	smax.u32 s20, $0x1;
	s10 =	sadd.s32 $0x55200, s31;
	s11 =	sshrl.u32 s24, $0x3  }
0x13: {  	s20 =	simm.s32 $0x580;
	s24 =	simm.s32 $0x680;
	s0 =	sadd.s32 s7, s0  }
0x14: {  	[dreg:$0x5] =	wrdreg s25;
	s25 =	simm.s32 $0x300;
	s8 =	sadd.s32 $0x60200, s0  }
.LBB2_1:
0x15: {  	s0 =	rddreg [dreg:$0x4]  }
0x16: {  	[spmem:s11], [sflag:s6] =	dma.local [hbm:s0], $0x2800  }
0x17: {  	_ =	swait.ge [sflag:s12], $0x2800  }
0x18: {  	[sflag:s12] =	ssyncset.done $0x0  }
0x19: {  	[sflag:s12] =	ssyncadd.s32 $0xFFFFD800  }
0x1a: {  	s5 =	sadd.s32 $0x0, s10;
	[bflag:$0x0] =	sbarrier.arrive $0xFFFF  }
0x1b: {  	[tilespmem:s3], [sflag:$0x1] =	stream.linear.gather [hbm4b:s5+s3], $0x400, $0x38;
	[tilespmem:$0x18800] =	vst v63  }
0x1c: {  	_ =	swait.ge [sflag:s12], $0x400  }
0x1d: {  	[sflag:s12] =	ssyncset.done $0x0  }
0x1e: {  	s7 =	sadd.s32 $0x0, s9;
	[sflag:s12] =	ssyncadd.s32 $0xFFFFFC00  }
0x1f: {  	[tilespmem:s13], [sflag:$0x1] =	stream.linear.gather [hbm4b:s7+s3], $0x400, $0x38;
	[tilespmem:$0x18800] =	vst v63  }
0x20: {  	_ =	swait.ge [sflag:s12], $0x400  }
0x21: {  	[sflag:s12] =	ssyncset.done $0x0  }
0x22: {  	[sflag:s12] =	ssyncadd.s32 $0xFFFFFC00  }
0x23: {  	[tilespmem:s15], [sflag:$0x1] =	stream.indirect.gather [hbm4b:s4+s14], $0x80, s3, s14, $0xb8;
	[tilespmem:$0x18800] =	vst v63  }
0x24: {  	_ =	swait.ge [sflag:s12], $0x4000  }
0x25: {  	[sflag:s12] =	ssyncset.done $0x0  }
0x26: {  	[sflag:s12] =	ssyncadd.s32 $0xFFFFC000  }
0x27: {  	[spmem:s2] =	stream.indirect.scatter.add.f32 [tilespmem:s15], [sflag:$0x1], $0x80, s13, s14, $0xb8;
	[tilespmem:$0x18800] =	vst v63  }
0x28: {  	_ =	swait.ge [sflag:s12], $0x4000  }
0x29: {  	[sflag:s12] =	ssyncset.done $0x0  }
0x2a: {  	[sflag:s12] =	ssyncadd.s32 $0xFFFFC000  }
0x2b: {  	[tilespmem:s15], [sflag:$0x1] =	stream.indirect.gather [hbm4b:s4+s14], $0x80, s14, s14, $0xb8;
	[tilespmem:$0x18800] =	vst v63  }
0x2c: {  	_ =	swait.ge [sflag:s12], $0x4000  }
0x2d: {  	[sflag:s12] =	ssyncset.done $0x0  }
0x2e: {  	[sflag:s12] =	ssyncadd.s32 $0xFFFFC000  }
0x2f: {  	[spmem:s2] =	stream.indirect.scatter.add.f32 [tilespmem:s15], [sflag:$0x1], $0x80, s16, s14, $0xb8;
	[tilespmem:$0x18800] =	vst v63  }
0x30: {  	_ =	swait.ge [sflag:s12], $0x4000  }
0x31: {  	[sflag:s12] =	ssyncset.done $0x0  }
0x32: {  	[sflag:s12] =	ssyncadd.s32 $0xFFFFC000  }
0x33: {  	[tilespmem:s15], [sflag:$0x1] =	stream.indirect.gather [hbm4b:s4+s14], $0x80, s17, s14, $0xb8;
	[tilespmem:$0x18800] =	vst v63  }
0x34: {  	_ =	swait.ge [sflag:s12], $0x4000  }
0x35: {  	[sflag:s12] =	ssyncset.done $0x0  }
0x36: {  	[sflag:s12] =	ssyncadd.s32 $0xFFFFC000  }
0x37: {  	[spmem:s2] =	stream.indirect.scatter.add.f32 [tilespmem:s15], [sflag:$0x1], $0x80, s18, s14, $0xb8;
	[tilespmem:$0x18800] =	vst v63  }
0x38: {  	_ =	swait.ge [sflag:s12], $0x4000  }
0x39: {  	[sflag:s12] =	ssyncset.done $0x0  }
0x3a: {  	[sflag:s12] =	ssyncadd.s32 $0xFFFFC000  }
0x3b: {  	[tilespmem:s15], [sflag:$0x1] =	stream.indirect.gather [hbm4b:s4+s14], $0x80, s19, s14, $0xb8;
	[tilespmem:$0x18800] =	vst v63  }
0x3c: {  	_ =	swait.ge [sflag:s12], $0x4000  }
0x3d: {  	[sflag:s12] =	ssyncset.done $0x0  }
0x3e: {  	[sflag:s12] =	ssyncadd.s32 $0xFFFFC000  }
0x3f: {  	[spmem:s2] =	stream.indirect.scatter.add.f32 [tilespmem:s15], [sflag:$0x1], $0x80, s20, s14, $0xb8;
	[tilespmem:$0x18800] =	vst v63  }
0x40: {  	_ =	swait.ge [sflag:s12], $0x4000  }
0x41: {  	[sflag:s12] =	ssyncset.done $0x0  }
0x42: {  	[sflag:s12] =	ssyncadd.s32 $0xFFFFC000  }
0x43: {  	[tilespmem:s15], [sflag:$0x1] =	stream.indirect.gather [hbm4b:s4+s14], $0x80, s21, s14, $0xb8;
	[tilespmem:$0x18800] =	vst v63  }
0x44: {  	_ =	swait.ge [sflag:s12], $0x4000  }
0x45: {  	[sflag:s12] =	ssyncset.done $0x0  }
0x46: {  	[sflag:s12] =	ssyncadd.s32 $0xFFFFC000  }
0x47: {  	[spmem:s2] =	stream.indirect.scatter.add.f32 [tilespmem:s15], [sflag:$0x1], $0x80, s22, s14, $0xb8;
	[tilespmem:$0x18800] =	vst v63  }
0x48: {  	_ =	swait.ge [sflag:s12], $0x4000  }
0x49: {  	[sflag:s12] =	ssyncset.done $0x0  }
0x4a: {  	[sflag:s12] =	ssyncadd.s32 $0xFFFFC000  }
0x4b: {  	[tilespmem:s15], [sflag:$0x1] =	stream.indirect.gather [hbm4b:s4+s14], $0x80, s23, s14, $0xb8;
	[tilespmem:$0x18800] =	vst v63  }
0x4c: {  	_ =	swait.ge [sflag:s12], $0x4000  }
0x4d: {  	[sflag:s12] =	ssyncset.done $0x0  }
0x4e: {  	[sflag:s12] =	ssyncadd.s32 $0xFFFFC000  }
0x4f: {  	[spmem:s2] =	stream.indirect.scatter.add.f32 [tilespmem:s15], [sflag:$0x1], $0x80, s24, s14, $0xb8;
	[tilespmem:$0x18800] =	vst v63  }
0x50: {  	_ =	swait.ge [sflag:s12], $0x4000  }
0x51: {  	[sflag:s12] =	ssyncset.done $0x0  }
0x52: {  	[sflag:s12] =	ssyncadd.s32 $0xFFFFC000  }
0x53: {  	[tilespmem:s15], [sflag:$0x1] =	stream.indirect.gather [hbm4b:s4+s14], $0x80, s25, s14, $0xb8;
	[tilespmem:$0x18800] =	vst v63  }
0x54: {  	_ =	swait.ge [sflag:s12], $0x4000  }
0x55: {  	[sflag:s12] =	ssyncset.done $0x0  }
0x56: {  	[sflag:s12] =	ssyncadd.s32 $0xFFFFC000  }
0x57: {  	[spmem:s2] =	stream.indirect.scatter.add.f32 [tilespmem:s15], [sflag:$0x1], $0x80, s26, s14, $0xb8;
	[tilespmem:$0x18800] =	vst v63  }
0x58: {  	_ =	swait.ge [sflag:s12], $0x4000  }
0x59: {  	[sflag:s12] =	ssyncset.done $0x0  }
0x5a: {  	[sflag:s12] =	ssyncadd.s32 $0xFFFFC000  }
0x5b: {  	[tilespmem:s15], [sflag:$0x1] =	stream.indirect.gather [hbm4b:s4+s14], $0x80, s28, s14, $0xb8;
	[tilespmem:$0x18800] =	vst v63  }
0x5c: {  	_ =	swait.ge [sflag:s12], $0x4000  }
0x5d: {  	[sflag:s12] =	ssyncset.done $0x0  }
0x5e: {  	[sflag:s12] =	ssyncadd.s32 $0xFFFFC000  }
0x5f: {  	[spmem:s2] =	stream.indirect.scatter.add.f32 [tilespmem:s15], [sflag:$0x1], $0x80, s29, s14, $0xb8;
	[tilespmem:$0x18800] =	vst v63  }
0x60: {  	_ =	swait.ge [sflag:s12], $0x4000  }
0x61: {  	s31 =	simm.s32 $0x80;
	s0 =	simm.s32 $0x100;
	[sflag:s12] =	ssyncset.done $0x0  }
.LBB2_2:
0x62: {  	s5 =	sadd.s32 s31, s10  }
0x63: {  	[sflag:s12] =	ssyncadd.s32 $0xFFFFC000;
	s7 =	smov.u32 s0;
	s1 =	sadd.s32 $0x80, s0  }
0x64: {  	[tilespmem:s3], [sflag:$0x1] =	stream.linear.gather [hbm4b:s5+s3], $0x400, $0x38;
	[tilespmem:$0x18800] =	vst v63  }
0x65: {  	p0 =	sne.s32 s0, $0x500;
	_ =	swait.ge [sflag:s12], $0x400  }
0x66: {  	[sflag:s12] =	ssyncset.done $0x0  }
0x67: {  	s0 =	sadd.s32 s31, s9;
	s31 =	smov.u32 s7;
	[sflag:s12] =	ssyncadd.s32 $0xFFFFFC00  }
0x68: {  	[tilespmem:s13], [sflag:$0x1] =	stream.linear.gather [hbm4b:s0+s3], $0x400, $0x38;
	[tilespmem:$0x18800] =	vst v63  }
0x69: {  	_ =	swait.ge [sflag:s12], $0x400  }
0x6a: {  	[sflag:s12] =	ssyncset.done $0x0  }
0x6b: {  	[sflag:s12] =	ssyncadd.s32 $0xFFFFFC00  }
0x6c: {  	[tilespmem:s15], [sflag:$0x1] =	stream.indirect.gather [hbm4b:s4+s14], $0x80, s3, s14, $0xb8;
	[tilespmem:$0x18800] =	vst v63  }
0x6d: {  	_ =	swait.ge [sflag:s12], $0x4000  }
0x6e: {  	[sflag:s12] =	ssyncset.done $0x0  }
0x6f: {  	[sflag:s12] =	ssyncadd.s32 $0xFFFFC000  }
0x70: {  	[spmem:s2] =	stream.indirect.scatter.add.f32 [tilespmem:s15], [sflag:$0x1], $0x80, s13, s14, $0xb8;
	[tilespmem:$0x18800] =	vst v63  }
0x71: {  	_ =	swait.ge [sflag:s12], $0x4000  }
0x72: {  	[sflag:s12] =	ssyncset.done $0x0  }
0x73: {  	[sflag:s12] =	ssyncadd.s32 $0xFFFFC000  }
0x74: {  	[tilespmem:s15], [sflag:$0x1] =	stream.indirect.gather [hbm4b:s4+s14], $0x80, s14, s14, $0xb8;
	[tilespmem:$0x18800] =	vst v63  }
0x75: {  	_ =	swait.ge [sflag:s12], $0x4000  }
0x76: {  	[sflag:s12] =	ssyncset.done $0x0  }
0x77: {  	[sflag:s12] =	ssyncadd.s32 $0xFFFFC000  }
0x78: {  	[spmem:s2] =	stream.indirect.scatter.add.f32 [tilespmem:s15], [sflag:$0x1], $0x80, s16, s14, $0xb8;
	[tilespmem:$0x18800] =	vst v63  }
0x79: {  	_ =	swait.ge [sflag:s12], $0x4000  }
0x7a: {  	[sflag:s12] =	ssyncset.done $0x0  }
0x7b: {  	[sflag:s12] =	ssyncadd.s32 $0xFFFFC000  }
0x7c: {  	[tilespmem:s15], [sflag:$0x1] =	stream.indirect.gather [hbm4b:s4+s14], $0x80, s17, s14, $0xb8;
	[tilespmem:$0x18800] =	vst v63  }
0x7d: {  	_ =	swait.ge [sflag:s12], $0x4000  }
0x7e: {  	[sflag:s12] =	ssyncset.done $0x0  }
0x7f: {  	[sflag:s12] =	ssyncadd.s32 $0xFFFFC000  }
0x80: {  	[spmem:s2] =	stream.indirect.scatter.add.f32 [tilespmem:s15], [sflag:$0x1], $0x80, s18, s14, $0xb8;
	[tilespmem:$0x18800] =	vst v63  }
0x81: {  	_ =	swait.ge [sflag:s12], $0x4000  }
0x82: {  	[sflag:s12] =	ssyncset.done $0x0  }
0x83: {  	[sflag:s12] =	ssyncadd.s32 $0xFFFFC000  }
0x84: {  	[tilespmem:s15], [sflag:$0x1] =	stream.indirect.gather [hbm4b:s4+s14], $0x80, s19, s14, $0xb8;
	[tilespmem:$0x18800] =	vst v63  }
0x85: {  	_ =	swait.ge [sflag:s12], $0x4000  }
0x86: {  	[sflag:s12] =	ssyncset.done $0x0  }
0x87: {  	[sflag:s12] =	ssyncadd.s32 $0xFFFFC000  }
0x88: {  	[spmem:s2] =	stream.indirect.scatter.add.f32 [tilespmem:s15], [sflag:$0x1], $0x80, s20, s14, $0xb8;
	[tilespmem:$0x18800] =	vst v63  }
0x89: {  	_ =	swait.ge [sflag:s12], $0x4000  }
0x8a: {  	[sflag:s12] =	ssyncset.done $0x0  }
0x8b: {  	[sflag:s12] =	ssyncadd.s32 $0xFFFFC000  }
0x8c: {  	[tilespmem:s15], [sflag:$0x1] =	stream.indirect.gather [hbm4b:s4+s14], $0x80, s21, s14, $0xb8;
	[tilespmem:$0x18800] =	vst v63  }
0x8d: {  	_ =	swait.ge [sflag:s12], $0x4000  }
0x8e: {  	[sflag:s12] =	ssyncset.done $0x0  }
0x8f: {  	[sflag:s12] =	ssyncadd.s32 $0xFFFFC000  }
0x90: {  	[spmem:s2] =	stream.indirect.scatter.add.f32 [tilespmem:s15], [sflag:$0x1], $0x80, s22, s14, $0xb8;
	[tilespmem:$0x18800] =	vst v63  }
0x91: {  	_ =	swait.ge [sflag:s12], $0x4000  }
0x92: {  	[sflag:s12] =	ssyncset.done $0x0  }
0x93: {  	[sflag:s12] =	ssyncadd.s32 $0xFFFFC000  }
0x94: {  	[tilespmem:s15], [sflag:$0x1] =	stream.indirect.gather [hbm4b:s4+s14], $0x80, s23, s14, $0xb8;
	[tilespmem:$0x18800] =	vst v63  }
0x95: {  	_ =	swait.ge [sflag:s12], $0x4000  }
0x96: {  	[sflag:s12] =	ssyncset.done $0x0  }
0x97: {  	[sflag:s12] =	ssyncadd.s32 $0xFFFFC000  }
0x98: {  	[spmem:s2] =	stream.indirect.scatter.add.f32 [tilespmem:s15], [sflag:$0x1], $0x80, s24, s14, $0xb8;
	[tilespmem:$0x18800] =	vst v63  }
0x99: {  	_ =	swait.ge [sflag:s12], $0x4000  }
0x9a: {  	[sflag:s12] =	ssyncset.done $0x0  }
0x9b: {  	[sflag:s12] =	ssyncadd.s32 $0xFFFFC000  }
0x9c: {  	[tilespmem:s15], [sflag:$0x1] =	stream.indirect.gather [hbm4b:s4+s14], $0x80, s25, s14, $0xb8;
	[tilespmem:$0x18800] =	vst v63  }
0x9d: {  	_ =	swait.ge [sflag:s12], $0x4000  }
0x9e: {  	[sflag:s12] =	ssyncset.done $0x0  }
0x9f: {  	[sflag:s12] =	ssyncadd.s32 $0xFFFFC000  }
0xa0: {  	[spmem:s2] =	stream.indirect.scatter.add.f32 [tilespmem:s15], [sflag:$0x1], $0x80, s26, s14, $0xb8;
	[tilespmem:$0x18800] =	vst v63  }
0xa1: {  	_ =	swait.ge [sflag:s12], $0x4000  }
0xa2: {  	[sflag:s12] =	ssyncset.done $0x0  }
0xa3: {  	[sflag:s12] =	ssyncadd.s32 $0xFFFFC000  }
0xa4: {  	[tilespmem:s15], [sflag:$0x1] =	stream.indirect.gather [hbm4b:s4+s14], $0x80, s28, s14, $0xb8;
	[tilespmem:$0x18800] =	vst v63  }
0xa5: {  	_ =	swait.ge [sflag:s12], $0x4000  }
.Ltmp0:
0xa6: {  	[sflag:s12] =	ssyncset.done $0x0;
	(pc) =	sbr.rel @p0 .LBB2_2-.Ltmp0, $4  }
0xa7: {  	[sflag:s12] =	ssyncadd.s32 $0xFFFFC000  }
0xa8: {  	[spmem:s2] =	stream.indirect.scatter.add.f32 [tilespmem:s15], [sflag:$0x1], $0x80, s29, s14, $0xb8;
	[tilespmem:$0x18800] =	vst v63  }
0xa9: {  	_ =	swait.ge [sflag:s12], $0x4000  }
0xaa: {  	s0 =	smov.u32 s1;
	[sflag:s12] =	ssyncset.done $0x0  }
0xab: {  	s0 =	sadd.s32 s31, s10;
	[sflag:s12] =	ssyncadd.s32 $0xFFFFC000  }
0xac: {  	[tilespmem:s3], [sflag:$0x1] =	stream.linear.gather [hbm4b:s0+s3], $0x400, $0x38;
	[tilespmem:$0x18800] =	vst v63  }
0xad: {  	_ =	swait.ge [sflag:s12], $0x400  }
0xae: {  	[sflag:s12] =	ssyncset.done $0x0  }
0xaf: {  	s7 =	sadd.s32 s31, s9;
	[sflag:s12] =	ssyncadd.s32 $0xFFFFFC00  }
0xb0: {  	[tilespmem:s13], [sflag:$0x1] =	stream.linear.gather [hbm4b:s7+s3], $0x400, $0x38;
	[tilespmem:$0x18800] =	vst v63  }
0xb1: {  	_ =	swait.ge [sflag:s12], $0x400  }
0xb2: {  	[sflag:s12] =	ssyncset.done $0x0  }
0xb3: {  	[sflag:s12] =	ssyncadd.s32 $0xFFFFFC00  }
0xb4: {  	[tilespmem:s15], [sflag:$0x1] =	stream.indirect.gather [hbm4b:s4+s14], $0x80, s3, s14, $0xb8;
	[tilespmem:$0x18800] =	vst v63  }
0xb5: {  	_ =	swait.ge [sflag:s12], $0x4000  }
0xb6: {  	[sflag:s12] =	ssyncset.done $0x0  }
0xb7: {  	[sflag:s12] =	ssyncadd.s32 $0xFFFFC000  }
0xb8: {  	[spmem:s2] =	stream.indirect.scatter.add.f32 [tilespmem:s15], [sflag:$0x1], $0x80, s13, s14, $0xb8;
	[tilespmem:$0x18800] =	vst v63  }
0xb9: {  	_ =	swait.ge [sflag:s12], $0x4000  }
0xba: {  	[sflag:s12] =	ssyncset.done $0x0  }
0xbb: {  	[sflag:s12] =	ssyncadd.s32 $0xFFFFC000  }
0xbc: {  	[tilespmem:s15], [sflag:$0x1] =	stream.indirect.gather [hbm4b:s4+s14], $0x80, s14, s14, $0xb8;
	[tilespmem:$0x18800] =	vst v63  }
0xbd: {  	_ =	swait.ge [sflag:s12], $0x4000  }
0xbe: {  	[sflag:s12] =	ssyncset.done $0x0  }
0xbf: {  	[sflag:s12] =	ssyncadd.s32 $0xFFFFC000  }
0xc0: {  	[spmem:s2] =	stream.indirect.scatter.add.f32 [tilespmem:s15], [sflag:$0x1], $0x80, s16, s14, $0xb8;
	[tilespmem:$0x18800] =	vst v63  }
0xc1: {  	_ =	swait.ge [sflag:s12], $0x4000  }
0xc2: {  	[sflag:s12] =	ssyncset.done $0x0  }
0xc3: {  	[sflag:s12] =	ssyncadd.s32 $0xFFFFC000  }
0xc4: {  	[tilespmem:s15], [sflag:$0x1] =	stream.indirect.gather [hbm4b:s4+s14], $0x80, s17, s14, $0xb8;
	[tilespmem:$0x18800] =	vst v63  }
0xc5: {  	_ =	swait.ge [sflag:s12], $0x4000  }
0xc6: {  	[sflag:s12] =	ssyncset.done $0x0  }
0xc7: {  	[sflag:s12] =	ssyncadd.s32 $0xFFFFC000  }
0xc8: {  	[spmem:s2] =	stream.indirect.scatter.add.f32 [tilespmem:s15], [sflag:$0x1], $0x80, s18, s14, $0xb8;
	[tilespmem:$0x18800] =	vst v63  }
0xc9: {  	_ =	swait.ge [sflag:s12], $0x4000  }
0xca: {  	[sflag:s12] =	ssyncset.done $0x0  }
0xcb: {  	[sflag:s12] =	ssyncadd.s32 $0xFFFFC000  }
0xcc: {  	[tilespmem:s15], [sflag:$0x1] =	stream.indirect.gather [hbm4b:s4+s14], $0x80, s19, s14, $0xb8;
	[tilespmem:$0x18800] =	vst v63  }
0xcd: {  	_ =	swait.ge [sflag:s12], $0x4000  }
0xce: {  	[sflag:s12] =	ssyncset.done $0x0  }
0xcf: {  	[sflag:s12] =	ssyncadd.s32 $0xFFFFC000  }
0xd0: {  	[spmem:s2] =	stream.indirect.scatter.add.f32 [tilespmem:s15], [sflag:$0x1], $0x80, s20, s14, $0xb8;
	[tilespmem:$0x18800] =	vst v63  }
0xd1: {  	_ =	swait.ge [sflag:s12], $0x4000  }
0xd2: {  	[sflag:s12] =	ssyncset.done $0x0  }
0xd3: {  	[sflag:s12] =	ssyncadd.s32 $0xFFFFC000  }
0xd4: {  	[tilespmem:s15], [sflag:$0x1] =	stream.indirect.gather [hbm4b:s4+s14], $0x80, s21, s14, $0xb8;
	[tilespmem:$0x18800] =	vst v63  }
0xd5: {  	_ =	swait.ge [sflag:s12], $0x4000  }
0xd6: {  	[sflag:s12] =	ssyncset.done $0x0  }
0xd7: {  	[sflag:s12] =	ssyncadd.s32 $0xFFFFC000  }
0xd8: {  	[spmem:s2] =	stream.indirect.scatter.add.f32 [tilespmem:s15], [sflag:$0x1], $0x80, s22, s14, $0xb8;
	[tilespmem:$0x18800] =	vst v63  }
0xd9: {  	_ =	swait.ge [sflag:s12], $0x4000  }
0xda: {  	[sflag:s12] =	ssyncset.done $0x0  }
0xdb: {  	[sflag:s12] =	ssyncadd.s32 $0xFFFFC000  }
0xdc: {  	[tilespmem:s15], [sflag:$0x1] =	stream.indirect.gather [hbm4b:s4+s14], $0x80, s23, s14, $0xb8;
	[tilespmem:$0x18800] =	vst v63  }
0xdd: {  	_ =	swait.ge [sflag:s12], $0x4000  }
0xde: {  	[sflag:s12] =	ssyncset.done $0x0  }
0xdf: {  	[sflag:s12] =	ssyncadd.s32 $0xFFFFC000  }
0xe0: {  	[spmem:s2] =	stream.indirect.scatter.add.f32 [tilespmem:s15], [sflag:$0x1], $0x80, s24, s14, $0xb8;
	[tilespmem:$0x18800] =	vst v63  }
0xe1: {  	_ =	swait.ge [sflag:s12], $0x4000  }
0xe2: {  	[sflag:s12] =	ssyncset.done $0x0  }
0xe3: {  	[sflag:s12] =	ssyncadd.s32 $0xFFFFC000  }
0xe4: {  	[tilespmem:s15], [sflag:$0x1] =	stream.indirect.gather [hbm4b:s4+s14], $0x80, s25, s14, $0xb8;
	[tilespmem:$0x18800] =	vst v63  }
0xe5: {  	_ =	swait.ge [sflag:s12], $0x4000  }
0xe6: {  	[sflag:s12] =	ssyncset.done $0x0  }
0xe7: {  	[sflag:s12] =	ssyncadd.s32 $0xFFFFC000  }
0xe8: {  	[spmem:s2] =	stream.indirect.scatter.add.f32 [tilespmem:s15], [sflag:$0x1], $0x80, s26, s14, $0xb8;
	[tilespmem:$0x18800] =	vst v63  }
0xe9: {  	_ =	swait.ge [sflag:s12], $0x4000  }
0xea: {  	[sflag:s12] =	ssyncset.done $0x0  }
0xeb: {  	[sflag:s12] =	ssyncadd.s32 $0xFFFFC000  }
0xec: {  	[tilespmem:s15], [sflag:$0x1] =	stream.indirect.gather [hbm4b:s4+s14], $0x80, s28, s14, $0xb8;
	[tilespmem:$0x18800] =	vst v63  }
0xed: {  	_ =	swait.ge [sflag:s12], $0x4000  }
0xee: {  	[sflag:s12] =	ssyncset.done $0x0  }
0xef: {  	[sflag:s12] =	ssyncadd.s32 $0xFFFFC000  }
0xf0: {  	[spmem:s2] =	stream.indirect.scatter.add.f32 [tilespmem:s15], [sflag:$0x1], $0x80, s29, s14, $0xb8;
	[tilespmem:$0x18800] =	vst v63  }
0xf1: {  	_ =	swait.ge [sflag:s12], $0x4000  }
0xf2: {  	[sflag:s12] =	ssyncset.done $0x0  }
0xf3: {  	[sflag:s12] =	ssyncadd.s32 $0xFFFFC000  }
0xf4: {  	[bflag:$0x0] =	sbarrier.arrive $0xFFFF  }
0xf5: {  	[hbm:s8], [sflag:s6] =	dma.local [spmem:s11], $0x2800  }
0xf6: {  	_ =	swait.ge [sflag:s12], $0x2800  }
0xf7: {  	s30 =	sadd.s32 $0x1, s30;
	s31 =	rddreg [dreg:$0x5]  }
0xf8: {  	p0 =	sne.s32 s30, s31  }
.Ltmp1:
0xf9: {  	_ = 	snop;
	(pc) =	sbr.rel @p0 .LBB2_1-.Ltmp1, $3  }
0xfa: {  	_ =	sdelay $0x1  }
0xfb: {  	[sflag:s12] =	ssyncset.done $0x0  }
0xfc: {  	[sflag:s12] =	ssyncadd.s32 $0xFFFFD800  }
0xfd: {  	_ =	sfence.sel $0x180000  }
0xfe: {  	[bflag:$0x0] =	sbarrier.arrive $0xFFFF  }
0xff: {  	_ =	strace $0x9000004A  }
0x100: {  	s0 =	stileid.u32;
	[bflag:$0x2] =	sbarrier.arrive $0xFFFF  }
0x101: {  	p0 =	sne.s32 s0, $0x0;
	s0 =	rddreg [dreg:$0x3]  }
0x102: {  	s0 =	sadd.s32 @!p0 $0x100000, s0  }
0x103: {  	[sflag:s0] =	ssyncadd.tile.s32 @!p0 $0x1;
	_ =	shalt  }
.Lfunc_end2:
_tile_overlayer_lowered:
.L_overlay_start_2:
0x104: {  	(tag) =	ssettag $0x2  }
0x105: {  	s0 =	rddreg [dreg:$0x0];
	s2 =	stileid.u32  }
0x106: {  	s1 =	rddreg [dreg:$0x1];
	p0 =	sne.s32 s2, $0x0  }
0x107: {  	s3 =	rddreg [dreg:$0x2];
	[bflag:$0x3] =	sbarrier.arrive $0xFFFF;
	s2 =	simm.s32 @!p0 $0x1C01  }
0x108: {  	[timem:s3], [sflag:s2] =	dma.local @!p0 [hbm:s0], s1  }
0x109: {  	s0 =	simm.s32 @!p0 $0x1  }
0x10a: {  	_ =	swait.ge @!p0 [sflag:s0], s1  }
0x10b: {  	s1 =	ssub.s32 @!p0 $0x0, s1;
	[sflag:s0] =	ssyncset.done @!p0 $0x0  }
0x10c: {  	[sflag:s0] =	ssyncadd.s32 @!p0 s1  }
0x10d: {  	[bflag:$0x3] =	sbarrier.arrive $0xFFFF  }
0x10e: {  	_ =	shalt  }

// kernel: kernel.16.cloned.1.call-start
scs
__scs_entry_jumppad:
0x0: {  	(pc) =	sbr.rel $0x88, $3  }
0x1: {  	(tag) =	ssettag $0x0;
	lr =	simm.s32 $0x1  }
0x2: {  	[smem:$0x3F9D] =	sst lr;
	_ =	strace $0xD0000000  }
0x3: {  	_ = 	snop  }
0x4: {  	_ = 	snop  }
0x5: {  	_ = 	snop  }
0x6: {  	_ = 	snop  }
0x7: {  	_ = 	snop  }
__scs_overlays_trampoline_lowered:
0x8: {  	[smem:$0x3FAC] =	sst s0  }
0x9: {  	[smem:$0x3FAD] =	sst s1  }
0xa: {  	[smem:$0x3FAE] =	sst s2  }
0xb: {  	[smem:$0x3FAF] =	sst s3  }
0xc: {  	[smem:$0x3FB0] =	sst s4  }
0xd: {  	[smem:$0x3FB1] =	sst s5  }
0xe: {  	[smem:$0x3FB2] =	sst s6  }
0xf: {  	[smem:$0x3FB3] =	sst s7  }
0x10: {  	[smem:$0x3FB4] =	sst s8  }
0x11: {  	[smem:$0x3FB5] =	sst s9;
	s0 =	simm.s32 @!p0 $0x0  }
0x12: {  	s1 =	sld [smem:$0x3F9B];
	s0 =	simm.s32 @p0 $0x1  }
0x13: {  	[smem:$0x3FB6] =	sst s0;
	s0 =	simm.s32 @!p1 $0x0  }
0x14: {  	s2 =	sld [smem:$0x3F9A];
	s0 =	simm.s32 @p1 $0x1  }
0x15: {  	[smem:$0x3FB7] =	sst s0;
	s0 =	simm.s32 @!p2 $0x0  }
0x16: {  	s3 =	sld [smem:$0x3FDB];
	s0 =	simm.s32 @p2 $0x1  }
0x17: {  	s4 =	simm.s32 $0x1BF5;
	[smem:$0x3FB9] =	sst s0  }
0x18: {  	s0 =	sld [smem:$0x3F9C];
	_ =	swait.ge [sflag:s4], $0x0  }
0x19: {  	s7 =	sld [smem:$0x3F9D]  }
0x1a: {  	s8 =	sadd.s32 $0xFFFFE003, lr  }
0x1b: {  	s9 =	sadd.s32 $0xFFFFFEF7, lr;
	s5 =	simm.s32 $0xFFFFFFFF;
	p2 =	slt.u32 s8, $0xFFFFF086  }
0x1c: {  	p1 =	slt.u32 s9, $0xF7A;
	s5 =	simm.s32 @!p2 $0x0  }
0x1d: {  	s5 =	simm.s32 @p1 $0x1;
	p0 =	seq.s32 s7, s2  }
0x1e: {  	s7 =	smul.u32 @!p0 $0xF7A, s2;
	p2 =	seq.s32 @!p0 s5, $0x0  }
0x1f: {  	s9 =	smul.u32 $0xF7A, s1;
	s8 =	simm.s32 @!p0 $0x1BF5;
	p2 =	por !p2, p0  }
0x20: {  	[sflag:s8] =	ssyncset.s32 @!p0 $0xFFFFF086;
	s6 =	sadd.s32 @!p0 s3, s7;
	s7 =	simm.s32 @!p0 $0x108  }
0x21: {  	s3 =	sadd.s32 s3, s9;
	s6 =	sadd.s32 @!p0 $0x88, s6;
	s7 =	simm.s32 @p2 $0x1082  }
0x22: {  	[simem:s7], [sflag:s8] =	dma.local @!p0 [hbm:s6], $0xF7A  }
0x23: {  	s9 =	sor.u32 $0xD0000000, s2;
	s6 =	simm.s32 $0x108;
	_ =	swait.ge @!p0 [sflag:s8], $0x0  }
0x24: {  	s3 =	sadd.s32 $0x88, s3;
	s6 =	simm.s32 @!p1 $0x1082;
	[sflag:s4] =	ssyncset.s32 $0xFFFFF086  }
0x25: {  	[simem:s6], [sflag:s4] =	dma.local [hbm:s3], $0xF7A  }
0x26: {  	[smem:$0x3F9D] =	sst s1;
	(tag) =	ssettag s2;
	_ =	strace s9  }
0x27: {  	s1 =	sld [smem:$0x3FAD]  }
0x28: {  	s2 =	sld [smem:$0x3FAE]  }
0x29: {  	s4 =	sld [smem:$0x3FB0]  }
0x2a: {  	p0 =	seq.s32 s5, $0x0;
	s5 =	sld [smem:$0x3FB1]  }
0x2b: {  	s6 =	sld [smem:$0x3FB2]  }
0x2c: {  	s7 =	sld [smem:$0x3FB3]  }
0x2d: {  	s3 =	simm.s32 $0x108;
	s8 =	sld [smem:$0x3FB4]  }
0x2e: {  	s3 =	simm.s32 @!p0 $0x1082;
	s9 =	sld [smem:$0x3FB5]  }
0x2f: {  	lr =	sadd.s32 s0, s3;
	s0 =	sld [smem:$0x3FAC]  }
0x30: {  	s3 =	sld [smem:$0x3FAF]  }
0x31: {  	[smem:$0x3FB8] =	sst s10  }
0x32: {  	s10 =	sld [smem:$0x3FB6];
	_ =	sdelay $0x3  }
0x33: {  	p0 =	seq.s32 s10, $0x1;
	s10 =	sld [smem:$0x3FB8];
	_ =	sdelay $0x3  }
0x34: {  	[smem:$0x3FB8] =	sst s10  }
0x35: {  	s10 =	sld [smem:$0x3FB7];
	_ =	sdelay $0x3  }
0x36: {  	p1 =	seq.s32 s10, $0x1;
	s10 =	sld [smem:$0x3FB8];
	_ =	sdelay $0x3  }
0x37: {  	[smem:$0x3FB8] =	sst s10  }
0x38: {  	s10 =	sld [smem:$0x3FB9]  }
0x39: {  	_ = 	snop;
	(pc) =	sbr.ind lr, $3  }
0x3a: {  	_ = 	snop  }
0x3b: {  	_ = 	snop  }
0x3c: {  	p2 =	seq.s32 s10, $0x1;
	s10 =	sld [smem:$0x3FB8]  }
0x3d: {  	_ =	shalt  }
0x3e: {  	_ =	shalt  }
0x3f: {  	_ =	shalt  }
0x40: {  	_ =	shalt  }
0x41: {  	_ =	shalt  }
0x42: {  	_ =	shalt  }
0x43: {  	_ =	shalt  }
0x44: {  	_ =	shalt  }
0x45: {  	_ =	shalt  }
0x46: {  	_ =	shalt  }
0x47: {  	_ =	shalt  }
0x48: {  	_ =	shalt  }
0x49: {  	_ =	shalt  }
0x4a: {  	_ =	shalt  }
0x4b: {  	_ =	shalt  }
0x4c: {  	_ =	shalt  }
0x4d: {  	_ =	shalt  }
0x4e: {  	_ =	shalt  }
0x4f: {  	_ =	shalt  }
0x50: {  	_ =	shalt  }
0x51: {  	_ =	shalt  }
0x52: {  	_ =	shalt  }
0x53: {  	_ =	shalt  }
0x54: {  	_ =	shalt  }
0x55: {  	_ =	shalt  }
0x56: {  	_ =	shalt  }
0x57: {  	_ =	shalt  }
0x58: {  	_ =	shalt  }
0x59: {  	_ =	shalt  }
0x5a: {  	_ =	shalt  }
0x5b: {  	_ =	shalt  }
0x5c: {  	_ =	shalt  }
0x5d: {  	_ =	shalt  }
0x5e: {  	_ =	shalt  }
0x5f: {  	_ =	shalt  }
0x60: {  	_ =	shalt  }
0x61: {  	_ =	shalt  }
0x62: {  	_ =	shalt  }
0x63: {  	_ =	shalt  }
0x64: {  	_ =	shalt  }
0x65: {  	_ =	shalt  }
0x66: {  	_ =	shalt  }
0x67: {  	_ =	shalt  }
0x68: {  	_ =	shalt  }
0x69: {  	_ =	shalt  }
0x6a: {  	_ =	shalt  }
0x6b: {  	_ =	shalt  }
0x6c: {  	_ =	shalt  }
0x6d: {  	_ =	shalt  }
0x6e: {  	_ =	shalt  }
0x6f: {  	_ =	shalt  }
0x70: {  	_ =	shalt  }
0x71: {  	_ =	shalt  }
0x72: {  	_ =	shalt  }
0x73: {  	_ =	shalt  }
0x74: {  	_ =	shalt  }
0x75: {  	_ =	shalt  }
0x76: {  	_ =	shalt  }
0x77: {  	_ =	shalt  }
0x78: {  	_ =	shalt  }
0x79: {  	_ =	shalt  }
0x7a: {  	_ =	shalt  }
0x7b: {  	_ =	shalt  }
0x7c: {  	_ =	shalt  }
0x7d: {  	_ =	shalt  }
0x7e: {  	_ =	shalt  }
0x7f: {  	_ =	shalt  }
0x80: {  	_ =	shalt  }
0x81: {  	_ =	shalt  }
0x82: {  	_ =	shalt  }
0x83: {  	_ =	shalt  }
0x84: {  	_ =	shalt  }
0x85: {  	_ =	shalt  }
0x86: {  	_ =	shalt  }
0x87: {  	_ =	shalt  }
.Lfunc_end0:
.L_simem_size_0:
called_computation.2_lowered:
.L_overlay_start_0:
0x88: {  	s2 =	sld [smem:$0x3FD9]  }
0x89: {  	s3 =	sld [smem:$0x3FFE];
	_ =	sdelay $0x1  }
0x8a: {  	s1 =	srdreg.scid  }
0x8b: {  	s0 =	sand.u32 $0x1, s1  }
0x8c: {  	s17 =	sshll.u32 s0, $0xA;
	s2 =	sadd.s32 s3, s2  }
0x8d: {  	s2 =	sadd.s32 s2, s17  }
0x8e: {  	[smem:$0x3FC4] =	sst s2  }
0x8f: {  	_ = 	snop  }
0x90: {  	s2 =	sld [smem:$0x3FD0];
	(tm) =	ssettm $0x1  }
0x91: {  	s18 =	sld [smem:$0x3FFB];
	_ =	sdelay $0x3  }
0x92: {  	_ =	strace s18  }
0x93: {  	s3 =	sld [smem:$0x3FFC];
	_ =	sdelay $0x3  }
0x94: {  	_ =	strace s3  }
0x95: {  	s3 =	sld [smem:$0x3FFD];
	_ =	sdelay $0x3  }
0x96: {  	_ =	strace s3  }
0x97: {  	_ =	strace $0x8FFFFFFF  }
0x98: {  	s19 =	sld [smem:$0x3FDB];
	_ =	sdelay $0x1  }
0x99: {  	s4 =	simm.s32 $_scs_section_size  }
0x9a: {  	s5 =	simm.s32 $_size__tile_overlayer_lowered;
	s6 =	simm.s32 $_tile_overlayer_lowered  }
0x9b: {  	s22 =	simm.s32 $0x1BFF;
	s21 =	sshll.u32 s6, $0x1;
	s3 =	sadd.s32 s4, s19  }
0x9c: {  	s7 =	simm.s32 $0x0;
	s20 =	sshll.u32 s5, $0x1;
	s5 =	sadd.s32 s21, s3  }
0x9d: {  	[timem:s7], [sflag:s22] =	dma.local [hbm:s5], s20  }
0x9e: {  	_ =	swait.ge [sflag:s22], s20  }
0x9f: {  	s4 =	ssub.s32 $0x0, s20;
	[sflag:s22] =	ssyncset.done $0x0  }
0xa0: {  	[sflag:s22] =	ssyncadd.s32 s4;
	_ =	sdelay $0x1  }
0xa1: {  	s23 =	simm.s32 $0x1B8B  }
0xa2: {  	_ =	swait.ge [sflag:s23], $0x1  }
0xa3: {  	[sflag:s23] =	ssyncset.done $0x0  }
0xa4: {  	s25 =	simm.s32 $0x1B8E;
	s24 =	sld [smem:$0x3FFE];
	[sflag:s23] =	ssyncadd.s32 $0xFFFFFFFF  }
0xa5: {  	s26 =	simm.s32 $execute0_lowered;
	[smem:$0x3FD2] =	sst s25  }
0xa6: {  	s5 =	sshll.u32 s26, $0x1;
	_ =	strace $0x8000004C;
	[dreg:$0x1] =	wrdreg $0xFFFFFFFF  }
0xa7: {  	s28 =	simm.s32 $_size_execute0_lowered;
	s3 =	sadd.s32 s3, s5;
	[dreg:$0x0] =	wrdreg $0x0  }
0xa8: {  	s5 =	sshll.u32 s28, $0x1;
	[dreg:$0x2] =	wrdreg s3  }
0xa9: {  	[dreg:$0x3] =	wrdreg s5  }
0xaa: {  	[dreg:$0x4] =	wrdreg $0xC0  }
0xab: {  	_ =	task [dreg:s7], $0x5FFFF  }
0xac: {  	[dreg:$0x1] =	wrdreg $0xFFFFFFFF  }
0xad: {  	[dreg:$0x0] =	wrdreg $0x60  }
0xae: {  	[dreg:$0x2] =	wrdreg s24  }
0xaf: {  	[dreg:$0x3] =	wrdreg s2  }
0xb0: {  	[dreg:$0x4] =	wrdreg $0x48000  }
0xb1: {  	[dreg:$0x5] =	wrdreg $0x9  }
0xb2: {  	_ =	task.clear_ibuf [dreg:s7], $0x6FFFF;
	_ =	strace $0x9000004C  }
0xb3: {  	s29 =	simm.s32 $0x9;
	_ =	strace $0x8000004E  }
0xb4: {  	_ =	swait.ge [sflag:s29], $0x1  }
0xb5: {  	[sflag:s29] =	ssyncadd.s32 $0xFFFFFFFF  }
0xb6: {  	_ =	strace $0x9000004E  }
0xb7: {  	_ =	sfence  }
0xb8: {  	s30 =	sld [smem:$0x0];
	_ =	sdelay $0x2  }
0xb9: {  	s31 =	sshll.u32 s1, $0xD;
	s1 =	sshrl.u32 s1, $0x2  }
0xba: {  	s3 =	sand.u32 $0x4000, s31;
	s1 =	sadd.s32 s1, s30  }
0xbb: {  	s0 =	sor.u32 s3, s0;
	s1 =	sshll.u32 s1, $0x11  }
0xbc: {  	s0 =	sor.u32 s1, s0  }
0xbd: {  	s0 =	sadd.s32 $0x8F2B, s0  }
0xbe: {  	[sflag:s0] =	ssyncadd.remote.s32 $0x1  }
0xbf: {  	_ =	sfence.sel $0xFFFF  }
0xc0: {  	[dreg:$0x0] =	wrdreg $0xFFFFFFFF;
	(pc) =	sbr.abs _section_cstart, $3  }
0xc1: {  	[dreg:$0x1] =	wrdreg $0xFFFFFFFF  }
0xc2: {  	_ =	task.clear_ibuf [dreg:s7], $0x2FFFF;
	_ =	strace $0x9FFFFFFF  }
0xc3: {  	(tm) =	ssettm $0x7FFFFFFF  }
tec
execute0_lowered:
.L_overlay_start_1:
0x0: {  	(tag) =	ssettag $0x1  }
0x1: {  	s0 =	rddreg [dreg:$0x0]  }
0x2: {  	s1 =	rddreg [dreg:$0x1]  }
0x3: {  	s2 =	rddreg [dreg:$0x2];
	s3 =	simm.s32 $0x0;
	s13 =	stileid.u32  }
0x4: {  	s6 =	srdreg.scid;
	s14 =	simm.s32 $0x80;
	s15 =	simm.s32 $0x800  }
0x5: {  	s16 =	simm.s32 $0x480;
	s17 =	simm.s32 $0x100;
	s18 =	simm.s32 $0x500  }
0x6: {  	s28 =	simm.s32 $0x380;
	s29 =	simm.s32 $0x780;
	s9 =	smul.u32 $0xB00, s13  }
0x7: {  	s30 =	simm.s32 $0x0;
	[smem:$0x7FF] =	sst s3;
	s5 =	smul.u32 $0x14000, s13  }
0x8: {  	s4 =	sadd.s32 $0x2200, s0;
	s6 =	sand.u32 $0x1, s6;
	s7 =	smul.u32 $0x2800, s13  }
0x9: {  	s12 =	smul.u32 $0x50000, s13;
	s19 =	sadd.s32 $0x2A200, s0;
	s22 =	sshll.u32 s13, $0x6  }
0xa: {  	s13 =	simm.s32 $0x400;
	_ =	strace $0x8000004D;
	p0 =	seq.s32 s6, $0x1  }
0xb: {  	s8 =	ssub.s32 $0x2, s6;
	[dreg:$0x4] =	wrdreg s19;
	s23 =	smul.u32 $0x580, s6  }
0xc: {  	s6 =	sor.u32 $0x1C01, s22;
	s19 =	simm.s32 $0x180;
	s22 =	simm.s32 $0x600  }
0xd: {  	s10 =	sadd.s32 s9, s0;
	s5 =	sshrl.u32 s5, $0x3;
	s11 =	sshrl.u32 s8, $0x1  }
0xe: {  	s21 =	sshrl.u32 s12, $0x2;
	s26 =	sadd.s32 s9, s1;
	s12 =	simm.s32 $0x1  }
0xf: {  	s5 =	sadd.s32 $0x28000, s5;
	s20 =	ssub.s32 s8, s11;
	s24 =	sadd.s32 s21, s2  }
0x10: {  	s31 =	sadd.s32 s23, s10;
	s9 =	sadd.s32 s23, s26;
	s21 =	simm.s32 $0x200  }
0x11: {  	s23 =	simm.s32 $0x280;
	s26 =	simm.s32 $0x700;
	s7 =	smov.u32 @p0 s5  }
0x12: {  	s25 =	smax.u32 s20, $0x1;
	s10 =	sadd.s32 $0x55200, s31;
	s11 =	sshrl.u32 s24, $0x3  }
0x13: {  	s20 =	simm.s32 $0x580;
	s24 =	simm.s32 $0x680;
	s0 =	sadd.s32 s7, s0  }
0x14: {  	[dreg:$0x5] =	wrdreg s25;
	s25 =	simm.s32 $0x300;
	s8 =	sadd.s32 $0x60200, s0  }
.LBB2_1:
0x15: {  	s0 =	rddreg [dreg:$0x4]  }
0x16: {  	[spmem:s11], [sflag:s6] =	dma.local [hbm:s0], $0x2800  }
0x17: {  	_ =	swait.ge [sflag:s12], $0x2800  }
0x18: {  	[sflag:s12] =	ssyncset.done $0x0  }
0x19: {  	[sflag:s12] =	ssyncadd.s32 $0xFFFFD800  }
0x1a: {  	s5 =	sadd.s32 $0x0, s10;
	[bflag:$0x0] =	sbarrier.arrive $0xFFFF  }
0x1b: {  	[tilespmem:s3], [sflag:$0x1] =	stream.linear.gather [hbm4b:s5+s3], $0x400, $0x38;
	[tilespmem:$0x18800] =	vst v63  }
0x1c: {  	_ =	swait.ge [sflag:s12], $0x400  }
0x1d: {  	[sflag:s12] =	ssyncset.done $0x0  }
0x1e: {  	s7 =	sadd.s32 $0x0, s9;
	[sflag:s12] =	ssyncadd.s32 $0xFFFFFC00  }
0x1f: {  	[tilespmem:s13], [sflag:$0x1] =	stream.linear.gather [hbm4b:s7+s3], $0x400, $0x38;
	[tilespmem:$0x18800] =	vst v63  }
0x20: {  	_ =	swait.ge [sflag:s12], $0x400  }
0x21: {  	[sflag:s12] =	ssyncset.done $0x0  }
0x22: {  	[sflag:s12] =	ssyncadd.s32 $0xFFFFFC00  }
0x23: {  	[tilespmem:s15], [sflag:$0x1] =	stream.indirect.gather [hbm4b:s4+s14], $0x80, s3, s14, $0xb8;
	[tilespmem:$0x18800] =	vst v63  }
0x24: {  	_ =	swait.ge [sflag:s12], $0x4000  }
0x25: {  	[sflag:s12] =	ssyncset.done $0x0  }
0x26: {  	[sflag:s12] =	ssyncadd.s32 $0xFFFFC000  }
0x27: {  	[spmem:s2] =	stream.indirect.scatter.add.f32 [tilespmem:s15], [sflag:$0x1], $0x80, s13, s14, $0xb8;
	[tilespmem:$0x18800] =	vst v63  }
0x28: {  	_ =	swait.ge [sflag:s12], $0x4000  }
0x29: {  	[sflag:s12] =	ssyncset.done $0x0  }
0x2a: {  	[sflag:s12] =	ssyncadd.s32 $0xFFFFC000  }
0x2b: {  	[tilespmem:s15], [sflag:$0x1] =	stream.indirect.gather [hbm4b:s4+s14], $0x80, s14, s14, $0xb8;
	[tilespmem:$0x18800] =	vst v63  }
0x2c: {  	_ =	swait.ge [sflag:s12], $0x4000  }
0x2d: {  	[sflag:s12] =	ssyncset.done $0x0  }
0x2e: {  	[sflag:s12] =	ssyncadd.s32 $0xFFFFC000  }
0x2f: {  	[spmem:s2] =	stream.indirect.scatter.add.f32 [tilespmem:s15], [sflag:$0x1], $0x80, s16, s14, $0xb8;
	[tilespmem:$0x18800] =	vst v63  }
0x30: {  	_ =	swait.ge [sflag:s12], $0x4000  }
0x31: {  	[sflag:s12] =	ssyncset.done $0x0  }
0x32: {  	[sflag:s12] =	ssyncadd.s32 $0xFFFFC000  }
0x33: {  	[tilespmem:s15], [sflag:$0x1] =	stream.indirect.gather [hbm4b:s4+s14], $0x80, s17, s14, $0xb8;
	[tilespmem:$0x18800] =	vst v63  }
0x34: {  	_ =	swait.ge [sflag:s12], $0x4000  }
0x35: {  	[sflag:s12] =	ssyncset.done $0x0  }
0x36: {  	[sflag:s12] =	ssyncadd.s32 $0xFFFFC000  }
0x37: {  	[spmem:s2] =	stream.indirect.scatter.add.f32 [tilespmem:s15], [sflag:$0x1], $0x80, s18, s14, $0xb8;
	[tilespmem:$0x18800] =	vst v63  }
0x38: {  	_ =	swait.ge [sflag:s12], $0x4000  }
0x39: {  	[sflag:s12] =	ssyncset.done $0x0  }
0x3a: {  	[sflag:s12] =	ssyncadd.s32 $0xFFFFC000  }
0x3b: {  	[tilespmem:s15], [sflag:$0x1] =	stream.indirect.gather [hbm4b:s4+s14], $0x80, s19, s14, $0xb8;
	[tilespmem:$0x18800] =	vst v63  }
0x3c: {  	_ =	swait.ge [sflag:s12], $0x4000  }
0x3d: {  	[sflag:s12] =	ssyncset.done $0x0  }
0x3e: {  	[sflag:s12] =	ssyncadd.s32 $0xFFFFC000  }
0x3f: {  	[spmem:s2] =	stream.indirect.scatter.add.f32 [tilespmem:s15], [sflag:$0x1], $0x80, s20, s14, $0xb8;
	[tilespmem:$0x18800] =	vst v63  }
0x40: {  	_ =	swait.ge [sflag:s12], $0x4000  }
0x41: {  	[sflag:s12] =	ssyncset.done $0x0  }
0x42: {  	[sflag:s12] =	ssyncadd.s32 $0xFFFFC000  }
0x43: {  	[tilespmem:s15], [sflag:$0x1] =	stream.indirect.gather [hbm4b:s4+s14], $0x80, s21, s14, $0xb8;
	[tilespmem:$0x18800] =	vst v63  }
0x44: {  	_ =	swait.ge [sflag:s12], $0x4000  }
0x45: {  	[sflag:s12] =	ssyncset.done $0x0  }
0x46: {  	[sflag:s12] =	ssyncadd.s32 $0xFFFFC000  }
0x47: {  	[spmem:s2] =	stream.indirect.scatter.add.f32 [tilespmem:s15], [sflag:$0x1], $0x80, s22, s14, $0xb8;
	[tilespmem:$0x18800] =	vst v63  }
0x48: {  	_ =	swait.ge [sflag:s12], $0x4000  }
0x49: {  	[sflag:s12] =	ssyncset.done $0x0  }
0x4a: {  	[sflag:s12] =	ssyncadd.s32 $0xFFFFC000  }
0x4b: {  	[tilespmem:s15], [sflag:$0x1] =	stream.indirect.gather [hbm4b:s4+s14], $0x80, s23, s14, $0xb8;
	[tilespmem:$0x18800] =	vst v63  }
0x4c: {  	_ =	swait.ge [sflag:s12], $0x4000  }
0x4d: {  	[sflag:s12] =	ssyncset.done $0x0  }
0x4e: {  	[sflag:s12] =	ssyncadd.s32 $0xFFFFC000  }
0x4f: {  	[spmem:s2] =	stream.indirect.scatter.add.f32 [tilespmem:s15], [sflag:$0x1], $0x80, s24, s14, $0xb8;
	[tilespmem:$0x18800] =	vst v63  }
0x50: {  	_ =	swait.ge [sflag:s12], $0x4000  }
0x51: {  	[sflag:s12] =	ssyncset.done $0x0  }
0x52: {  	[sflag:s12] =	ssyncadd.s32 $0xFFFFC000  }
0x53: {  	[tilespmem:s15], [sflag:$0x1] =	stream.indirect.gather [hbm4b:s4+s14], $0x80, s25, s14, $0xb8;
	[tilespmem:$0x18800] =	vst v63  }
0x54: {  	_ =	swait.ge [sflag:s12], $0x4000  }
0x55: {  	[sflag:s12] =	ssyncset.done $0x0  }
0x56: {  	[sflag:s12] =	ssyncadd.s32 $0xFFFFC000  }
0x57: {  	[spmem:s2] =	stream.indirect.scatter.add.f32 [tilespmem:s15], [sflag:$0x1], $0x80, s26, s14, $0xb8;
	[tilespmem:$0x18800] =	vst v63  }
0x58: {  	_ =	swait.ge [sflag:s12], $0x4000  }
0x59: {  	[sflag:s12] =	ssyncset.done $0x0  }
0x5a: {  	[sflag:s12] =	ssyncadd.s32 $0xFFFFC000  }
0x5b: {  	[tilespmem:s15], [sflag:$0x1] =	stream.indirect.gather [hbm4b:s4+s14], $0x80, s28, s14, $0xb8;
	[tilespmem:$0x18800] =	vst v63  }
0x5c: {  	_ =	swait.ge [sflag:s12], $0x4000  }
0x5d: {  	[sflag:s12] =	ssyncset.done $0x0  }
0x5e: {  	[sflag:s12] =	ssyncadd.s32 $0xFFFFC000  }
0x5f: {  	[spmem:s2] =	stream.indirect.scatter.add.f32 [tilespmem:s15], [sflag:$0x1], $0x80, s29, s14, $0xb8;
	[tilespmem:$0x18800] =	vst v63  }
0x60: {  	_ =	swait.ge [sflag:s12], $0x4000  }
0x61: {  	s31 =	simm.s32 $0x80;
	s0 =	simm.s32 $0x100;
	[sflag:s12] =	ssyncset.done $0x0  }
.LBB2_2:
0x62: {  	s5 =	sadd.s32 s31, s10  }
0x63: {  	[sflag:s12] =	ssyncadd.s32 $0xFFFFC000;
	s7 =	smov.u32 s0;
	s1 =	sadd.s32 $0x80, s0  }
0x64: {  	[tilespmem:s3], [sflag:$0x1] =	stream.linear.gather [hbm4b:s5+s3], $0x400, $0x38;
	[tilespmem:$0x18800] =	vst v63  }
0x65: {  	p0 =	sne.s32 s0, $0x500;
	_ =	swait.ge [sflag:s12], $0x400  }
0x66: {  	[sflag:s12] =	ssyncset.done $0x0  }
0x67: {  	s0 =	sadd.s32 s31, s9;
	s31 =	smov.u32 s7;
	[sflag:s12] =	ssyncadd.s32 $0xFFFFFC00  }
0x68: {  	[tilespmem:s13], [sflag:$0x1] =	stream.linear.gather [hbm4b:s0+s3], $0x400, $0x38;
	[tilespmem:$0x18800] =	vst v63  }
0x69: {  	_ =	swait.ge [sflag:s12], $0x400  }
0x6a: {  	[sflag:s12] =	ssyncset.done $0x0  }
0x6b: {  	[sflag:s12] =	ssyncadd.s32 $0xFFFFFC00  }
0x6c: {  	[tilespmem:s15], [sflag:$0x1] =	stream.indirect.gather [hbm4b:s4+s14], $0x80, s3, s14, $0xb8;
	[tilespmem:$0x18800] =	vst v63  }
0x6d: {  	_ =	swait.ge [sflag:s12], $0x4000  }
0x6e: {  	[sflag:s12] =	ssyncset.done $0x0  }
0x6f: {  	[sflag:s12] =	ssyncadd.s32 $0xFFFFC000  }
0x70: {  	[spmem:s2] =	stream.indirect.scatter.add.f32 [tilespmem:s15], [sflag:$0x1], $0x80, s13, s14, $0xb8;
	[tilespmem:$0x18800] =	vst v63  }
0x71: {  	_ =	swait.ge [sflag:s12], $0x4000  }
0x72: {  	[sflag:s12] =	ssyncset.done $0x0  }
0x73: {  	[sflag:s12] =	ssyncadd.s32 $0xFFFFC000  }
0x74: {  	[tilespmem:s15], [sflag:$0x1] =	stream.indirect.gather [hbm4b:s4+s14], $0x80, s14, s14, $0xb8;
	[tilespmem:$0x18800] =	vst v63  }
0x75: {  	_ =	swait.ge [sflag:s12], $0x4000  }
0x76: {  	[sflag:s12] =	ssyncset.done $0x0  }
0x77: {  	[sflag:s12] =	ssyncadd.s32 $0xFFFFC000  }
0x78: {  	[spmem:s2] =	stream.indirect.scatter.add.f32 [tilespmem:s15], [sflag:$0x1], $0x80, s16, s14, $0xb8;
	[tilespmem:$0x18800] =	vst v63  }
0x79: {  	_ =	swait.ge [sflag:s12], $0x4000  }
0x7a: {  	[sflag:s12] =	ssyncset.done $0x0  }
0x7b: {  	[sflag:s12] =	ssyncadd.s32 $0xFFFFC000  }
0x7c: {  	[tilespmem:s15], [sflag:$0x1] =	stream.indirect.gather [hbm4b:s4+s14], $0x80, s17, s14, $0xb8;
	[tilespmem:$0x18800] =	vst v63  }
0x7d: {  	_ =	swait.ge [sflag:s12], $0x4000  }
0x7e: {  	[sflag:s12] =	ssyncset.done $0x0  }
0x7f: {  	[sflag:s12] =	ssyncadd.s32 $0xFFFFC000  }
0x80: {  	[spmem:s2] =	stream.indirect.scatter.add.f32 [tilespmem:s15], [sflag:$0x1], $0x80, s18, s14, $0xb8;
	[tilespmem:$0x18800] =	vst v63  }
0x81: {  	_ =	swait.ge [sflag:s12], $0x4000  }
0x82: {  	[sflag:s12] =	ssyncset.done $0x0  }
0x83: {  	[sflag:s12] =	ssyncadd.s32 $0xFFFFC000  }
0x84: {  	[tilespmem:s15], [sflag:$0x1] =	stream.indirect.gather [hbm4b:s4+s14], $0x80, s19, s14, $0xb8;
	[tilespmem:$0x18800] =	vst v63  }
0x85: {  	_ =	swait.ge [sflag:s12], $0x4000  }
0x86: {  	[sflag:s12] =	ssyncset.done $0x0  }
0x87: {  	[sflag:s12] =	ssyncadd.s32 $0xFFFFC000  }
0x88: {  	[spmem:s2] =	stream.indirect.scatter.add.f32 [tilespmem:s15], [sflag:$0x1], $0x80, s20, s14, $0xb8;
	[tilespmem:$0x18800] =	vst v63  }
0x89: {  	_ =	swait.ge [sflag:s12], $0x4000  }
0x8a: {  	[sflag:s12] =	ssyncset.done $0x0  }
0x8b: {  	[sflag:s12] =	ssyncadd.s32 $0xFFFFC000  }
0x8c: {  	[tilespmem:s15], [sflag:$0x1] =	stream.indirect.gather [hbm4b:s4+s14], $0x80, s21, s14, $0xb8;
	[tilespmem:$0x18800] =	vst v63  }
0x8d: {  	_ =	swait.ge [sflag:s12], $0x4000  }
0x8e: {  	[sflag:s12] =	ssyncset.done $0x0  }
0x8f: {  	[sflag:s12] =	ssyncadd.s32 $0xFFFFC000  }
0x90: {  	[spmem:s2] =	stream.indirect.scatter.add.f32 [tilespmem:s15], [sflag:$0x1], $0x80, s22, s14, $0xb8;
	[tilespmem:$0x18800] =	vst v63  }
0x91: {  	_ =	swait.ge [sflag:s12], $0x4000  }
0x92: {  	[sflag:s12] =	ssyncset.done $0x0  }
0x93: {  	[sflag:s12] =	ssyncadd.s32 $0xFFFFC000  }
0x94: {  	[tilespmem:s15], [sflag:$0x1] =	stream.indirect.gather [hbm4b:s4+s14], $0x80, s23, s14, $0xb8;
	[tilespmem:$0x18800] =	vst v63  }
0x95: {  	_ =	swait.ge [sflag:s12], $0x4000  }
0x96: {  	[sflag:s12] =	ssyncset.done $0x0  }
0x97: {  	[sflag:s12] =	ssyncadd.s32 $0xFFFFC000  }
0x98: {  	[spmem:s2] =	stream.indirect.scatter.add.f32 [tilespmem:s15], [sflag:$0x1], $0x80, s24, s14, $0xb8;
	[tilespmem:$0x18800] =	vst v63  }
0x99: {  	_ =	swait.ge [sflag:s12], $0x4000  }
0x9a: {  	[sflag:s12] =	ssyncset.done $0x0  }
0x9b: {  	[sflag:s12] =	ssyncadd.s32 $0xFFFFC000  }
0x9c: {  	[tilespmem:s15], [sflag:$0x1] =	stream.indirect.gather [hbm4b:s4+s14], $0x80, s25, s14, $0xb8;
	[tilespmem:$0x18800] =	vst v63  }
0x9d: {  	_ =	swait.ge [sflag:s12], $0x4000  }
0x9e: {  	[sflag:s12] =	ssyncset.done $0x0  }
0x9f: {  	[sflag:s12] =	ssyncadd.s32 $0xFFFFC000  }
0xa0: {  	[spmem:s2] =	stream.indirect.scatter.add.f32 [tilespmem:s15], [sflag:$0x1], $0x80, s26, s14, $0xb8;
	[tilespmem:$0x18800] =	vst v63  }
0xa1: {  	_ =	swait.ge [sflag:s12], $0x4000  }
0xa2: {  	[sflag:s12] =	ssyncset.done $0x0  }
0xa3: {  	[sflag:s12] =	ssyncadd.s32 $0xFFFFC000  }
0xa4: {  	[tilespmem:s15], [sflag:$0x1] =	stream.indirect.gather [hbm4b:s4+s14], $0x80, s28, s14, $0xb8;
	[tilespmem:$0x18800] =	vst v63  }
0xa5: {  	_ =	swait.ge [sflag:s12], $0x4000  }
.Ltmp0:
0xa6: {  	[sflag:s12] =	ssyncset.done $0x0;
	(pc) =	sbr.rel @p0 .LBB2_2-.Ltmp0, $4  }
0xa7: {  	[sflag:s12] =	ssyncadd.s32 $0xFFFFC000  }
0xa8: {  	[spmem:s2] =	stream.indirect.scatter.add.f32 [tilespmem:s15], [sflag:$0x1], $0x80, s29, s14, $0xb8;
	[tilespmem:$0x18800] =	vst v63  }
0xa9: {  	_ =	swait.ge [sflag:s12], $0x4000  }
0xaa: {  	s0 =	smov.u32 s1;
	[sflag:s12] =	ssyncset.done $0x0  }
0xab: {  	s0 =	sadd.s32 s31, s10;
	[sflag:s12] =	ssyncadd.s32 $0xFFFFC000  }
0xac: {  	[tilespmem:s3], [sflag:$0x1] =	stream.linear.gather [hbm4b:s0+s3], $0x400, $0x38;
	[tilespmem:$0x18800] =	vst v63  }
0xad: {  	_ =	swait.ge [sflag:s12], $0x400  }
0xae: {  	[sflag:s12] =	ssyncset.done $0x0  }
0xaf: {  	s7 =	sadd.s32 s31, s9;
	[sflag:s12] =	ssyncadd.s32 $0xFFFFFC00  }
0xb0: {  	[tilespmem:s13], [sflag:$0x1] =	stream.linear.gather [hbm4b:s7+s3], $0x400, $0x38;
	[tilespmem:$0x18800] =	vst v63  }
0xb1: {  	_ =	swait.ge [sflag:s12], $0x400  }
0xb2: {  	[sflag:s12] =	ssyncset.done $0x0  }
0xb3: {  	[sflag:s12] =	ssyncadd.s32 $0xFFFFFC00  }
0xb4: {  	[tilespmem:s15], [sflag:$0x1] =	stream.indirect.gather [hbm4b:s4+s14], $0x80, s3, s14, $0xb8;
	[tilespmem:$0x18800] =	vst v63  }
0xb5: {  	_ =	swait.ge [sflag:s12], $0x4000  }
0xb6: {  	[sflag:s12] =	ssyncset.done $0x0  }
0xb7: {  	[sflag:s12] =	ssyncadd.s32 $0xFFFFC000  }
0xb8: {  	[spmem:s2] =	stream.indirect.scatter.add.f32 [tilespmem:s15], [sflag:$0x1], $0x80, s13, s14, $0xb8;
	[tilespmem:$0x18800] =	vst v63  }
0xb9: {  	_ =	swait.ge [sflag:s12], $0x4000  }
0xba: {  	[sflag:s12] =	ssyncset.done $0x0  }
0xbb: {  	[sflag:s12] =	ssyncadd.s32 $0xFFFFC000  }
0xbc: {  	[tilespmem:s15], [sflag:$0x1] =	stream.indirect.gather [hbm4b:s4+s14], $0x80, s14, s14, $0xb8;
	[tilespmem:$0x18800] =	vst v63  }
0xbd: {  	_ =	swait.ge [sflag:s12], $0x4000  }
0xbe: {  	[sflag:s12] =	ssyncset.done $0x0  }
0xbf: {  	[sflag:s12] =	ssyncadd.s32 $0xFFFFC000  }
0xc0: {  	[spmem:s2] =	stream.indirect.scatter.add.f32 [tilespmem:s15], [sflag:$0x1], $0x80, s16, s14, $0xb8;
	[tilespmem:$0x18800] =	vst v63  }
0xc1: {  	_ =	swait.ge [sflag:s12], $0x4000  }
0xc2: {  	[sflag:s12] =	ssyncset.done $0x0  }
0xc3: {  	[sflag:s12] =	ssyncadd.s32 $0xFFFFC000  }
0xc4: {  	[tilespmem:s15], [sflag:$0x1] =	stream.indirect.gather [hbm4b:s4+s14], $0x80, s17, s14, $0xb8;
	[tilespmem:$0x18800] =	vst v63  }
0xc5: {  	_ =	swait.ge [sflag:s12], $0x4000  }
0xc6: {  	[sflag:s12] =	ssyncset.done $0x0  }
0xc7: {  	[sflag:s12] =	ssyncadd.s32 $0xFFFFC000  }
0xc8: {  	[spmem:s2] =	stream.indirect.scatter.add.f32 [tilespmem:s15], [sflag:$0x1], $0x80, s18, s14, $0xb8;
	[tilespmem:$0x18800] =	vst v63  }
0xc9: {  	_ =	swait.ge [sflag:s12], $0x4000  }
0xca: {  	[sflag:s12] =	ssyncset.done $0x0  }
0xcb: {  	[sflag:s12] =	ssyncadd.s32 $0xFFFFC000  }
0xcc: {  	[tilespmem:s15], [sflag:$0x1] =	stream.indirect.gather [hbm4b:s4+s14], $0x80, s19, s14, $0xb8;
	[tilespmem:$0x18800] =	vst v63  }
0xcd: {  	_ =	swait.ge [sflag:s12], $0x4000  }
0xce: {  	[sflag:s12] =	ssyncset.done $0x0  }
0xcf: {  	[sflag:s12] =	ssyncadd.s32 $0xFFFFC000  }
0xd0: {  	[spmem:s2] =	stream.indirect.scatter.add.f32 [tilespmem:s15], [sflag:$0x1], $0x80, s20, s14, $0xb8;
	[tilespmem:$0x18800] =	vst v63  }
0xd1: {  	_ =	swait.ge [sflag:s12], $0x4000  }
0xd2: {  	[sflag:s12] =	ssyncset.done $0x0  }
0xd3: {  	[sflag:s12] =	ssyncadd.s32 $0xFFFFC000  }
0xd4: {  	[tilespmem:s15], [sflag:$0x1] =	stream.indirect.gather [hbm4b:s4+s14], $0x80, s21, s14, $0xb8;
	[tilespmem:$0x18800] =	vst v63  }
0xd5: {  	_ =	swait.ge [sflag:s12], $0x4000  }
0xd6: {  	[sflag:s12] =	ssyncset.done $0x0  }
0xd7: {  	[sflag:s12] =	ssyncadd.s32 $0xFFFFC000  }
0xd8: {  	[spmem:s2] =	stream.indirect.scatter.add.f32 [tilespmem:s15], [sflag:$0x1], $0x80, s22, s14, $0xb8;
	[tilespmem:$0x18800] =	vst v63  }
0xd9: {  	_ =	swait.ge [sflag:s12], $0x4000  }
0xda: {  	[sflag:s12] =	ssyncset.done $0x0  }
0xdb: {  	[sflag:s12] =	ssyncadd.s32 $0xFFFFC000  }
0xdc: {  	[tilespmem:s15], [sflag:$0x1] =	stream.indirect.gather [hbm4b:s4+s14], $0x80, s23, s14, $0xb8;
	[tilespmem:$0x18800] =	vst v63  }
0xdd: {  	_ =	swait.ge [sflag:s12], $0x4000  }
0xde: {  	[sflag:s12] =	ssyncset.done $0x0  }
0xdf: {  	[sflag:s12] =	ssyncadd.s32 $0xFFFFC000  }
0xe0: {  	[spmem:s2] =	stream.indirect.scatter.add.f32 [tilespmem:s15], [sflag:$0x1], $0x80, s24, s14, $0xb8;
	[tilespmem:$0x18800] =	vst v63  }
0xe1: {  	_ =	swait.ge [sflag:s12], $0x4000  }
0xe2: {  	[sflag:s12] =	ssyncset.done $0x0  }
0xe3: {  	[sflag:s12] =	ssyncadd.s32 $0xFFFFC000  }
0xe4: {  	[tilespmem:s15], [sflag:$0x1] =	stream.indirect.gather [hbm4b:s4+s14], $0x80, s25, s14, $0xb8;
	[tilespmem:$0x18800] =	vst v63  }
0xe5: {  	_ =	swait.ge [sflag:s12], $0x4000  }
0xe6: {  	[sflag:s12] =	ssyncset.done $0x0  }
0xe7: {  	[sflag:s12] =	ssyncadd.s32 $0xFFFFC000  }
0xe8: {  	[spmem:s2] =	stream.indirect.scatter.add.f32 [tilespmem:s15], [sflag:$0x1], $0x80, s26, s14, $0xb8;
	[tilespmem:$0x18800] =	vst v63  }
0xe9: {  	_ =	swait.ge [sflag:s12], $0x4000  }
0xea: {  	[sflag:s12] =	ssyncset.done $0x0  }
0xeb: {  	[sflag:s12] =	ssyncadd.s32 $0xFFFFC000  }
0xec: {  	[tilespmem:s15], [sflag:$0x1] =	stream.indirect.gather [hbm4b:s4+s14], $0x80, s28, s14, $0xb8;
	[tilespmem:$0x18800] =	vst v63  }
0xed: {  	_ =	swait.ge [sflag:s12], $0x4000  }
0xee: {  	[sflag:s12] =	ssyncset.done $0x0  }
0xef: {  	[sflag:s12] =	ssyncadd.s32 $0xFFFFC000  }
0xf0: {  	[spmem:s2] =	stream.indirect.scatter.add.f32 [tilespmem:s15], [sflag:$0x1], $0x80, s29, s14, $0xb8;
	[tilespmem:$0x18800] =	vst v63  }
0xf1: {  	_ =	swait.ge [sflag:s12], $0x4000  }
0xf2: {  	[sflag:s12] =	ssyncset.done $0x0  }
0xf3: {  	[sflag:s12] =	ssyncadd.s32 $0xFFFFC000  }
0xf4: {  	[bflag:$0x0] =	sbarrier.arrive $0xFFFF  }
0xf5: {  	[hbm:s8], [sflag:s6] =	dma.local [spmem:s11], $0x2800  }
0xf6: {  	_ =	swait.ge [sflag:s12], $0x2800  }
0xf7: {  	s30 =	sadd.s32 $0x1, s30;
	s31 =	rddreg [dreg:$0x5]  }
0xf8: {  	p0 =	sne.s32 s30, s31  }
.Ltmp1:
0xf9: {  	_ = 	snop;
	(pc) =	sbr.rel @p0 .LBB2_1-.Ltmp1, $3  }
0xfa: {  	_ =	sdelay $0x1  }
0xfb: {  	[sflag:s12] =	ssyncset.done $0x0  }
0xfc: {  	[sflag:s12] =	ssyncadd.s32 $0xFFFFD800  }
0xfd: {  	_ =	sfence.sel $0x180000  }
0xfe: {  	[bflag:$0x0] =	sbarrier.arrive $0xFFFF  }
0xff: {  	_ =	strace $0x9000004D  }
0x100: {  	s0 =	stileid.u32;
	[bflag:$0x2] =	sbarrier.arrive $0xFFFF  }
0x101: {  	p0 =	sne.s32 s0, $0x0;
	s0 =	rddreg [dreg:$0x3]  }
0x102: {  	s0 =	sadd.s32 @!p0 $0x100000, s0  }
0x103: {  	[sflag:s0] =	ssyncadd.tile.s32 @!p0 $0x1;
	_ =	shalt  }
.Lfunc_end2:
_tile_overlayer_lowered:
.L_overlay_start_2:
0x104: {  	(tag) =	ssettag $0x2  }
0x105: {  	s0 =	rddreg [dreg:$0x0];
	s2 =	stileid.u32  }
0x106: {  	s1 =	rddreg [dreg:$0x1];
	p0 =	sne.s32 s2, $0x0  }
0x107: {  	s3 =	rddreg [dreg:$0x2];
	[bflag:$0x3] =	sbarrier.arrive $0xFFFF;
	s2 =	simm.s32 @!p0 $0x1C01  }
0x108: {  	[timem:s3], [sflag:s2] =	dma.local @!p0 [hbm:s0], s1  }
0x109: {  	s0 =	simm.s32 @!p0 $0x1  }
0x10a: {  	_ =	swait.ge @!p0 [sflag:s0], s1  }
0x10b: {  	s1 =	ssub.s32 @!p0 $0x0, s1;
	[sflag:s0] =	ssyncset.done @!p0 $0x0  }
0x10c: {  	[sflag:s0] =	ssyncadd.s32 @!p0 s1  }
0x10d: {  	[bflag:$0x3] =	sbarrier.arrive $0xFFFF  }
0x10e: {  	_ =	shalt  }

// kernel: kernel.19.cloned.1.call-start
scs
__scs_entry_jumppad:
0x0: {  	(pc) =	sbr.rel $0x88, $3  }
0x1: {  	(tag) =	ssettag $0x0;
	lr =	simm.s32 $0x1  }
0x2: {  	[smem:$0x3F9D] =	sst lr;
	_ =	strace $0xD0000000  }
0x3: {  	_ = 	snop  }
0x4: {  	_ = 	snop  }
0x5: {  	_ = 	snop  }
0x6: {  	_ = 	snop  }
0x7: {  	_ = 	snop  }
__scs_overlays_trampoline_lowered:
0x8: {  	[smem:$0x3FAC] =	sst s0  }
0x9: {  	[smem:$0x3FAD] =	sst s1  }
0xa: {  	[smem:$0x3FAE] =	sst s2  }
0xb: {  	[smem:$0x3FAF] =	sst s3  }
0xc: {  	[smem:$0x3FB0] =	sst s4  }
0xd: {  	[smem:$0x3FB1] =	sst s5  }
0xe: {  	[smem:$0x3FB2] =	sst s6  }
0xf: {  	[smem:$0x3FB3] =	sst s7  }
0x10: {  	[smem:$0x3FB4] =	sst s8  }
0x11: {  	[smem:$0x3FB5] =	sst s9;
	s0 =	simm.s32 @!p0 $0x0  }
0x12: {  	s1 =	sld [smem:$0x3F9B];
	s0 =	simm.s32 @p0 $0x1  }
0x13: {  	[smem:$0x3FB6] =	sst s0;
	s0 =	simm.s32 @!p1 $0x0  }
0x14: {  	s2 =	sld [smem:$0x3F9A];
	s0 =	simm.s32 @p1 $0x1  }
0x15: {  	[smem:$0x3FB7] =	sst s0;
	s0 =	simm.s32 @!p2 $0x0  }
0x16: {  	s3 =	sld [smem:$0x3FDB];
	s0 =	simm.s32 @p2 $0x1  }
0x17: {  	s4 =	simm.s32 $0x1BF5;
	[smem:$0x3FB9] =	sst s0  }
0x18: {  	s0 =	sld [smem:$0x3F9C];
	_ =	swait.ge [sflag:s4], $0x0  }
0x19: {  	s7 =	sld [smem:$0x3F9D]  }
0x1a: {  	s8 =	sadd.s32 $0xFFFFE003, lr  }
0x1b: {  	s9 =	sadd.s32 $0xFFFFFEF7, lr;
	s5 =	simm.s32 $0xFFFFFFFF;
	p2 =	slt.u32 s8, $0xFFFFF086  }
0x1c: {  	p1 =	slt.u32 s9, $0xF7A;
	s5 =	simm.s32 @!p2 $0x0  }
0x1d: {  	s5 =	simm.s32 @p1 $0x1;
	p0 =	seq.s32 s7, s2  }
0x1e: {  	s7 =	smul.u32 @!p0 $0xF7A, s2;
	p2 =	seq.s32 @!p0 s5, $0x0  }
0x1f: {  	s9 =	smul.u32 $0xF7A, s1;
	s8 =	simm.s32 @!p0 $0x1BF5;
	p2 =	por !p2, p0  }
0x20: {  	[sflag:s8] =	ssyncset.s32 @!p0 $0xFFFFF086;
	s6 =	sadd.s32 @!p0 s3, s7;
	s7 =	simm.s32 @!p0 $0x108  }
0x21: {  	s3 =	sadd.s32 s3, s9;
	s6 =	sadd.s32 @!p0 $0x88, s6;
	s7 =	simm.s32 @p2 $0x1082  }
0x22: {  	[simem:s7], [sflag:s8] =	dma.local @!p0 [hbm:s6], $0xF7A  }
0x23: {  	s9 =	sor.u32 $0xD0000000, s2;
	s6 =	simm.s32 $0x108;
	_ =	swait.ge @!p0 [sflag:s8], $0x0  }
0x24: {  	s3 =	sadd.s32 $0x88, s3;
	s6 =	simm.s32 @!p1 $0x1082;
	[sflag:s4] =	ssyncset.s32 $0xFFFFF086  }
0x25: {  	[simem:s6], [sflag:s4] =	dma.local [hbm:s3], $0xF7A  }
0x26: {  	[smem:$0x3F9D] =	sst s1;
	(tag) =	ssettag s2;
	_ =	strace s9  }
0x27: {  	s1 =	sld [smem:$0x3FAD]  }
0x28: {  	s2 =	sld [smem:$0x3FAE]  }
0x29: {  	s4 =	sld [smem:$0x3FB0]  }
0x2a: {  	p0 =	seq.s32 s5, $0x0;
	s5 =	sld [smem:$0x3FB1]  }
0x2b: {  	s6 =	sld [smem:$0x3FB2]  }
0x2c: {  	s7 =	sld [smem:$0x3FB3]  }
0x2d: {  	s3 =	simm.s32 $0x108;
	s8 =	sld [smem:$0x3FB4]  }
0x2e: {  	s3 =	simm.s32 @!p0 $0x1082;
	s9 =	sld [smem:$0x3FB5]  }
0x2f: {  	lr =	sadd.s32 s0, s3;
	s0 =	sld [smem:$0x3FAC]  }
0x30: {  	s3 =	sld [smem:$0x3FAF]  }
0x31: {  	[smem:$0x3FB8] =	sst s10  }
0x32: {  	s10 =	sld [smem:$0x3FB6];
	_ =	sdelay $0x3  }
0x33: {  	p0 =	seq.s32 s10, $0x1;
	s10 =	sld [smem:$0x3FB8];
	_ =	sdelay $0x3  }
0x34: {  	[smem:$0x3FB8] =	sst s10  }
0x35: {  	s10 =	sld [smem:$0x3FB7];
	_ =	sdelay $0x3  }
0x36: {  	p1 =	seq.s32 s10, $0x1;
	s10 =	sld [smem:$0x3FB8];
	_ =	sdelay $0x3  }
0x37: {  	[smem:$0x3FB8] =	sst s10  }
0x38: {  	s10 =	sld [smem:$0x3FB9]  }
0x39: {  	_ = 	snop;
	(pc) =	sbr.ind lr, $3  }
0x3a: {  	_ = 	snop  }
0x3b: {  	_ = 	snop  }
0x3c: {  	p2 =	seq.s32 s10, $0x1;
	s10 =	sld [smem:$0x3FB8]  }
0x3d: {  	_ =	shalt  }
0x3e: {  	_ =	shalt  }
0x3f: {  	_ =	shalt  }
0x40: {  	_ =	shalt  }
0x41: {  	_ =	shalt  }
0x42: {  	_ =	shalt  }
0x43: {  	_ =	shalt  }
0x44: {  	_ =	shalt  }
0x45: {  	_ =	shalt  }
0x46: {  	_ =	shalt  }
0x47: {  	_ =	shalt  }
0x48: {  	_ =	shalt  }
0x49: {  	_ =	shalt  }
0x4a: {  	_ =	shalt  }
0x4b: {  	_ =	shalt  }
0x4c: {  	_ =	shalt  }
0x4d: {  	_ =	shalt  }
0x4e: {  	_ =	shalt  }
0x4f: {  	_ =	shalt  }
0x50: {  	_ =	shalt  }
0x51: {  	_ =	shalt  }
0x52: {  	_ =	shalt  }
0x53: {  	_ =	shalt  }
0x54: {  	_ =	shalt  }
0x55: {  	_ =	shalt  }
0x56: {  	_ =	shalt  }
0x57: {  	_ =	shalt  }
0x58: {  	_ =	shalt  }
0x59: {  	_ =	shalt  }
0x5a: {  	_ =	shalt  }
0x5b: {  	_ =	shalt  }
0x5c: {  	_ =	shalt  }
0x5d: {  	_ =	shalt  }
0x5e: {  	_ =	shalt  }
0x5f: {  	_ =	shalt  }
0x60: {  	_ =	shalt  }
0x61: {  	_ =	shalt  }
0x62: {  	_ =	shalt  }
0x63: {  	_ =	shalt  }
0x64: {  	_ =	shalt  }
0x65: {  	_ =	shalt  }
0x66: {  	_ =	shalt  }
0x67: {  	_ =	shalt  }
0x68: {  	_ =	shalt  }
0x69: {  	_ =	shalt  }
0x6a: {  	_ =	shalt  }
0x6b: {  	_ =	shalt  }
0x6c: {  	_ =	shalt  }
0x6d: {  	_ =	shalt  }
0x6e: {  	_ =	shalt  }
0x6f: {  	_ =	shalt  }
0x70: {  	_ =	shalt  }
0x71: {  	_ =	shalt  }
0x72: {  	_ =	shalt  }
0x73: {  	_ =	shalt  }
0x74: {  	_ =	shalt  }
0x75: {  	_ =	shalt  }
0x76: {  	_ =	shalt  }
0x77: {  	_ =	shalt  }
0x78: {  	_ =	shalt  }
0x79: {  	_ =	shalt  }
0x7a: {  	_ =	shalt  }
0x7b: {  	_ =	shalt  }
0x7c: {  	_ =	shalt  }
0x7d: {  	_ =	shalt  }
0x7e: {  	_ =	shalt  }
0x7f: {  	_ =	shalt  }
0x80: {  	_ =	shalt  }
0x81: {  	_ =	shalt  }
0x82: {  	_ =	shalt  }
0x83: {  	_ =	shalt  }
0x84: {  	_ =	shalt  }
0x85: {  	_ =	shalt  }
0x86: {  	_ =	shalt  }
0x87: {  	_ =	shalt  }
.Lfunc_end0:
.L_simem_size_0:
called_computation.3_lowered:
.L_overlay_start_0:
0x88: {  	s2 =	sld [smem:$0x3FD9]  }
0x89: {  	s3 =	sld [smem:$0x3FFE];
	_ =	sdelay $0x1  }
0x8a: {  	s1 =	srdreg.scid  }
0x8b: {  	s0 =	sand.u32 $0x1, s1  }
0x8c: {  	s17 =	sshll.u32 s0, $0xA;
	s2 =	sadd.s32 s3, s2  }
0x8d: {  	s2 =	sadd.s32 s2, s17  }
0x8e: {  	[smem:$0x3FC4] =	sst s2  }
0x8f: {  	_ = 	snop  }
0x90: {  	s2 =	sld [smem:$0x3FD0];
	(tm) =	ssettm $0x1  }
0x91: {  	s18 =	sld [smem:$0x3FFB];
	_ =	sdelay $0x3  }
0x92: {  	_ =	strace s18  }
0x93: {  	s3 =	sld [smem:$0x3FFC];
	_ =	sdelay $0x3  }
0x94: {  	_ =	strace s3  }
0x95: {  	s3 =	sld [smem:$0x3FFD];
	_ =	sdelay $0x3  }
0x96: {  	_ =	strace s3  }
0x97: {  	_ =	strace $0x8FFFFFFF  }
0x98: {  	s19 =	sld [smem:$0x3FDB];
	_ =	sdelay $0x1  }
0x99: {  	s4 =	simm.s32 $_scs_section_size  }
0x9a: {  	s5 =	simm.s32 $_size__tile_overlayer_lowered;
	s6 =	simm.s32 $_tile_overlayer_lowered  }
0x9b: {  	s22 =	simm.s32 $0x1BFF;
	s21 =	sshll.u32 s6, $0x1;
	s3 =	sadd.s32 s4, s19  }
0x9c: {  	s7 =	simm.s32 $0x0;
	s20 =	sshll.u32 s5, $0x1;
	s5 =	sadd.s32 s21, s3  }
0x9d: {  	[timem:s7], [sflag:s22] =	dma.local [hbm:s5], s20  }
0x9e: {  	_ =	swait.ge [sflag:s22], s20  }
0x9f: {  	s4 =	ssub.s32 $0x0, s20;
	[sflag:s22] =	ssyncset.done $0x0  }
0xa0: {  	[sflag:s22] =	ssyncadd.s32 s4;
	_ =	sdelay $0x1  }
0xa1: {  	s23 =	simm.s32 $0x1B8B  }
0xa2: {  	_ =	swait.ge [sflag:s23], $0x1  }
0xa3: {  	[sflag:s23] =	ssyncset.done $0x0  }
0xa4: {  	s25 =	simm.s32 $0x1B8E;
	s24 =	sld [smem:$0x3FFE];
	[sflag:s23] =	ssyncadd.s32 $0xFFFFFFFF  }
0xa5: {  	s26 =	simm.s32 $execute0_lowered;
	[smem:$0x3FD2] =	sst s25  }
0xa6: {  	s5 =	sshll.u32 s26, $0x1;
	_ =	strace $0x8000004F;
	[dreg:$0x1] =	wrdreg $0xFFFFFFFF  }
0xa7: {  	s28 =	simm.s32 $_size_execute0_lowered;
	s3 =	sadd.s32 s3, s5;
	[dreg:$0x0] =	wrdreg $0x0  }
0xa8: {  	s5 =	sshll.u32 s28, $0x1;
	[dreg:$0x2] =	wrdreg s3  }
0xa9: {  	[dreg:$0x3] =	wrdreg s5  }
0xaa: {  	[dreg:$0x4] =	wrdreg $0xC0  }
0xab: {  	_ =	task [dreg:s7], $0x5FFFF  }
0xac: {  	[dreg:$0x1] =	wrdreg $0xFFFFFFFF  }
0xad: {  	[dreg:$0x0] =	wrdreg $0x60  }
0xae: {  	[dreg:$0x2] =	wrdreg s24  }
0xaf: {  	[dreg:$0x3] =	wrdreg s2  }
0xb0: {  	[dreg:$0x4] =	wrdreg $0x48000  }
0xb1: {  	[dreg:$0x5] =	wrdreg $0x9  }
0xb2: {  	_ =	task.clear_ibuf [dreg:s7], $0x6FFFF;
	_ =	strace $0x9000004F  }
0xb3: {  	s29 =	simm.s32 $0x9;
	_ =	strace $0x80000051  }
0xb4: {  	_ =	swait.ge [sflag:s29], $0x1  }
0xb5: {  	[sflag:s29] =	ssyncadd.s32 $0xFFFFFFFF  }
0xb6: {  	_ =	strace $0x90000051  }
0xb7: {  	_ =	sfence  }
0xb8: {  	s30 =	sld [smem:$0x0];
	_ =	sdelay $0x2  }
0xb9: {  	s31 =	sshll.u32 s1, $0xD;
	s1 =	sshrl.u32 s1, $0x2  }
0xba: {  	s3 =	sand.u32 $0x4000, s31;
	s1 =	sadd.s32 s1, s30  }
0xbb: {  	s0 =	sor.u32 s3, s0;
	s1 =	sshll.u32 s1, $0x11  }
0xbc: {  	s0 =	sor.u32 s1, s0  }
0xbd: {  	s0 =	sadd.s32 $0x8F2B, s0  }
0xbe: {  	[sflag:s0] =	ssyncadd.remote.s32 $0x1  }
0xbf: {  	_ =	sfence.sel $0xFFFF  }
0xc0: {  	[dreg:$0x0] =	wrdreg $0xFFFFFFFF;
	(pc) =	sbr.abs _section_cstart, $3  }
0xc1: {  	[dreg:$0x1] =	wrdreg $0xFFFFFFFF  }
0xc2: {  	_ =	task.clear_ibuf [dreg:s7], $0x2FFFF;
	_ =	strace $0x9FFFFFFF  }
0xc3: {  	(tm) =	ssettm $0x7FFFFFFF  }
tec
execute0_lowered:
.L_overlay_start_1:
0x0: {  	(tag) =	ssettag $0x1  }
0x1: {  	s0 =	rddreg [dreg:$0x0]  }
0x2: {  	s1 =	rddreg [dreg:$0x1]  }
0x3: {  	s2 =	rddreg [dreg:$0x2];
	s3 =	simm.s32 $0x0;
	s13 =	stileid.u32  }
0x4: {  	s6 =	srdreg.scid;
	s14 =	simm.s32 $0x80;
	s15 =	simm.s32 $0x800  }
0x5: {  	s16 =	simm.s32 $0x480;
	s17 =	simm.s32 $0x100;
	s18 =	simm.s32 $0x500  }
0x6: {  	s28 =	simm.s32 $0x380;
	s29 =	simm.s32 $0x780;
	s9 =	smul.u32 $0xB00, s13  }
0x7: {  	s30 =	simm.s32 $0x0;
	[smem:$0x7FF] =	sst s3;
	s5 =	smul.u32 $0x14000, s13  }
0x8: {  	s4 =	sadd.s32 $0x2200, s0;
	s6 =	sand.u32 $0x1, s6;
	s7 =	smul.u32 $0x2800, s13  }
0x9: {  	s12 =	smul.u32 $0x50000, s13;
	s19 =	sadd.s32 $0x2A200, s0;
	s22 =	sshll.u32 s13, $0x6  }
0xa: {  	s13 =	simm.s32 $0x400;
	_ =	strace $0x80000050;
	p0 =	seq.s32 s6, $0x1  }
0xb: {  	s8 =	ssub.s32 $0x2, s6;
	[dreg:$0x4] =	wrdreg s19;
	s23 =	smul.u32 $0x580, s6  }
0xc: {  	s6 =	sor.u32 $0x1C01, s22;
	s19 =	simm.s32 $0x180;
	s22 =	simm.s32 $0x600  }
0xd: {  	s10 =	sadd.s32 s9, s0;
	s5 =	sshrl.u32 s5, $0x3;
	s11 =	sshrl.u32 s8, $0x1  }
0xe: {  	s21 =	sshrl.u32 s12, $0x2;
	s26 =	sadd.s32 s9, s1;
	s12 =	simm.s32 $0x1  }
0xf: {  	s5 =	sadd.s32 $0x28000, s5;
	s20 =	ssub.s32 s8, s11;
	s24 =	sadd.s32 s21, s2  }
0x10: {  	s31 =	sadd.s32 s23, s10;
	s9 =	sadd.s32 s23, s26;
	s21 =	simm.s32 $0x200  }
0x11: {  	s23 =	simm.s32 $0x280;
	s26 =	simm.s32 $0x700;
	s7 =	smov.u32 @p0 s5  }
0x12: {  	s25 =	smax.u32 s20, $0x1;
	s10 =	sadd.s32 $0x55200, s31;
	s11 =	sshrl.u32 s24, $0x3  }
0x13: {  	s20 =	simm.s32 $0x580;
	s24 =	simm.s32 $0x680;
	s0 =	sadd.s32 s7, s0  }
0x14: {  	[dreg:$0x5] =	wrdreg s25;
	s25 =	simm.s32 $0x300;
	s8 =	sadd.s32 $0x60200, s0  }
.LBB2_1:
0x15: {  	s0 =	rddreg [dreg:$0x4]  }
0x16: {  	[spmem:s11], [sflag:s6] =	dma.local [hbm:s0], $0x2800  }
0x17: {  	_ =	swait.ge [sflag:s12], $0x2800  }
0x18: {  	[sflag:s12] =	ssyncset.done $0x0  }
0x19: {  	[sflag:s12] =	ssyncadd.s32 $0xFFFFD800  }
0x1a: {  	s5 =	sadd.s32 $0x0, s10;
	[bflag:$0x0] =	sbarrier.arrive $0xFFFF  }
0x1b: {  	[tilespmem:s3], [sflag:$0x1] =	stream.linear.gather [hbm4b:s5+s3], $0x400, $0x38;
	[tilespmem:$0x18800] =	vst v63  }
0x1c: {  	_ =	swait.ge [sflag:s12], $0x400  }
0x1d: {  	[sflag:s12] =	ssyncset.done $0x0  }
0x1e: {  	s7 =	sadd.s32 $0x0, s9;
	[sflag:s12] =	ssyncadd.s32 $0xFFFFFC00  }
0x1f: {  	[tilespmem:s13], [sflag:$0x1] =	stream.linear.gather [hbm4b:s7+s3], $0x400, $0x38;
	[tilespmem:$0x18800] =	vst v63  }
0x20: {  	_ =	swait.ge [sflag:s12], $0x400  }
0x21: {  	[sflag:s12] =	ssyncset.done $0x0  }
0x22: {  	[sflag:s12] =	ssyncadd.s32 $0xFFFFFC00  }
0x23: {  	[tilespmem:s15], [sflag:$0x1] =	stream.indirect.gather [hbm4b:s4+s14], $0x80, s3, s14, $0xb8;
	[tilespmem:$0x18800] =	vst v63  }
0x24: {  	_ =	swait.ge [sflag:s12], $0x4000  }
0x25: {  	[sflag:s12] =	ssyncset.done $0x0  }
0x26: {  	[sflag:s12] =	ssyncadd.s32 $0xFFFFC000  }
0x27: {  	[spmem:s2] =	stream.indirect.scatter.add.f32 [tilespmem:s15], [sflag:$0x1], $0x80, s13, s14, $0xb8;
	[tilespmem:$0x18800] =	vst v63  }
0x28: {  	_ =	swait.ge [sflag:s12], $0x4000  }
0x29: {  	[sflag:s12] =	ssyncset.done $0x0  }
0x2a: {  	[sflag:s12] =	ssyncadd.s32 $0xFFFFC000  }
0x2b: {  	[tilespmem:s15], [sflag:$0x1] =	stream.indirect.gather [hbm4b:s4+s14], $0x80, s14, s14, $0xb8;
	[tilespmem:$0x18800] =	vst v63  }
0x2c: {  	_ =	swait.ge [sflag:s12], $0x4000  }
0x2d: {  	[sflag:s12] =	ssyncset.done $0x0  }
0x2e: {  	[sflag:s12] =	ssyncadd.s32 $0xFFFFC000  }
0x2f: {  	[spmem:s2] =	stream.indirect.scatter.add.f32 [tilespmem:s15], [sflag:$0x1], $0x80, s16, s14, $0xb8;
	[tilespmem:$0x18800] =	vst v63  }
0x30: {  	_ =	swait.ge [sflag:s12], $0x4000  }
0x31: {  	[sflag:s12] =	ssyncset.done $0x0  }
0x32: {  	[sflag:s12] =	ssyncadd.s32 $0xFFFFC000  }
0x33: {  	[tilespmem:s15], [sflag:$0x1] =	stream.indirect.gather [hbm4b:s4+s14], $0x80, s17, s14, $0xb8;
	[tilespmem:$0x18800] =	vst v63  }
0x34: {  	_ =	swait.ge [sflag:s12], $0x4000  }
0x35: {  	[sflag:s12] =	ssyncset.done $0x0  }
0x36: {  	[sflag:s12] =	ssyncadd.s32 $0xFFFFC000  }
0x37: {  	[spmem:s2] =	stream.indirect.scatter.add.f32 [tilespmem:s15], [sflag:$0x1], $0x80, s18, s14, $0xb8;
	[tilespmem:$0x18800] =	vst v63  }
0x38: {  	_ =	swait.ge [sflag:s12], $0x4000  }
0x39: {  	[sflag:s12] =	ssyncset.done $0x0  }
0x3a: {  	[sflag:s12] =	ssyncadd.s32 $0xFFFFC000  }
0x3b: {  	[tilespmem:s15], [sflag:$0x1] =	stream.indirect.gather [hbm4b:s4+s14], $0x80, s19, s14, $0xb8;
	[tilespmem:$0x18800] =	vst v63  }
0x3c: {  	_ =	swait.ge [sflag:s12], $0x4000  }
0x3d: {  	[sflag:s12] =	ssyncset.done $0x0  }
0x3e: {  	[sflag:s12] =	ssyncadd.s32 $0xFFFFC000  }
0x3f: {  	[spmem:s2] =	stream.indirect.scatter.add.f32 [tilespmem:s15], [sflag:$0x1], $0x80, s20, s14, $0xb8;
	[tilespmem:$0x18800] =	vst v63  }
0x40: {  	_ =	swait.ge [sflag:s12], $0x4000  }
0x41: {  	[sflag:s12] =	ssyncset.done $0x0  }
0x42: {  	[sflag:s12] =	ssyncadd.s32 $0xFFFFC000  }
0x43: {  	[tilespmem:s15], [sflag:$0x1] =	stream.indirect.gather [hbm4b:s4+s14], $0x80, s21, s14, $0xb8;
	[tilespmem:$0x18800] =	vst v63  }
0x44: {  	_ =	swait.ge [sflag:s12], $0x4000  }
0x45: {  	[sflag:s12] =	ssyncset.done $0x0  }
0x46: {  	[sflag:s12] =	ssyncadd.s32 $0xFFFFC000  }
0x47: {  	[spmem:s2] =	stream.indirect.scatter.add.f32 [tilespmem:s15], [sflag:$0x1], $0x80, s22, s14, $0xb8;
	[tilespmem:$0x18800] =	vst v63  }
0x48: {  	_ =	swait.ge [sflag:s12], $0x4000  }
0x49: {  	[sflag:s12] =	ssyncset.done $0x0  }
0x4a: {  	[sflag:s12] =	ssyncadd.s32 $0xFFFFC000  }
0x4b: {  	[tilespmem:s15], [sflag:$0x1] =	stream.indirect.gather [hbm4b:s4+s14], $0x80, s23, s14, $0xb8;
	[tilespmem:$0x18800] =	vst v63  }
0x4c: {  	_ =	swait.ge [sflag:s12], $0x4000  }
0x4d: {  	[sflag:s12] =	ssyncset.done $0x0  }
0x4e: {  	[sflag:s12] =	ssyncadd.s32 $0xFFFFC000  }
0x4f: {  	[spmem:s2] =	stream.indirect.scatter.add.f32 [tilespmem:s15], [sflag:$0x1], $0x80, s24, s14, $0xb8;
	[tilespmem:$0x18800] =	vst v63  }
0x50: {  	_ =	swait.ge [sflag:s12], $0x4000  }
0x51: {  	[sflag:s12] =	ssyncset.done $0x0  }
0x52: {  	[sflag:s12] =	ssyncadd.s32 $0xFFFFC000  }
0x53: {  	[tilespmem:s15], [sflag:$0x1] =	stream.indirect.gather [hbm4b:s4+s14], $0x80, s25, s14, $0xb8;
	[tilespmem:$0x18800] =	vst v63  }
0x54: {  	_ =	swait.ge [sflag:s12], $0x4000  }
0x55: {  	[sflag:s12] =	ssyncset.done $0x0  }
0x56: {  	[sflag:s12] =	ssyncadd.s32 $0xFFFFC000  }
0x57: {  	[spmem:s2] =	stream.indirect.scatter.add.f32 [tilespmem:s15], [sflag:$0x1], $0x80, s26, s14, $0xb8;
	[tilespmem:$0x18800] =	vst v63  }
0x58: {  	_ =	swait.ge [sflag:s12], $0x4000  }
0x59: {  	[sflag:s12] =	ssyncset.done $0x0  }
0x5a: {  	[sflag:s12] =	ssyncadd.s32 $0xFFFFC000  }
0x5b: {  	[tilespmem:s15], [sflag:$0x1] =	stream.indirect.gather [hbm4b:s4+s14], $0x80, s28, s14, $0xb8;
	[tilespmem:$0x18800] =	vst v63  }
0x5c: {  	_ =	swait.ge [sflag:s12], $0x4000  }
0x5d: {  	[sflag:s12] =	ssyncset.done $0x0  }
0x5e: {  	[sflag:s12] =	ssyncadd.s32 $0xFFFFC000  }
0x5f: {  	[spmem:s2] =	stream.indirect.scatter.add.f32 [tilespmem:s15], [sflag:$0x1], $0x80, s29, s14, $0xb8;
	[tilespmem:$0x18800] =	vst v63  }
0x60: {  	_ =	swait.ge [sflag:s12], $0x4000  }
0x61: {  	s31 =	simm.s32 $0x80;
	s0 =	simm.s32 $0x100;
	[sflag:s12] =	ssyncset.done $0x0  }
.LBB2_2:
0x62: {  	s5 =	sadd.s32 s31, s10  }
0x63: {  	[sflag:s12] =	ssyncadd.s32 $0xFFFFC000;
	s7 =	smov.u32 s0;
	s1 =	sadd.s32 $0x80, s0  }
0x64: {  	[tilespmem:s3], [sflag:$0x1] =	stream.linear.gather [hbm4b:s5+s3], $0x400, $0x38;
	[tilespmem:$0x18800] =	vst v63  }
0x65: {  	p0 =	sne.s32 s0, $0x500;
	_ =	swait.ge [sflag:s12], $0x400  }
0x66: {  	[sflag:s12] =	ssyncset.done $0x0  }
0x67: {  	s0 =	sadd.s32 s31, s9;
	s31 =	smov.u32 s7;
	[sflag:s12] =	ssyncadd.s32 $0xFFFFFC00  }
0x68: {  	[tilespmem:s13], [sflag:$0x1] =	stream.linear.gather [hbm4b:s0+s3], $0x400, $0x38;
	[tilespmem:$0x18800] =	vst v63  }
0x69: {  	_ =	swait.ge [sflag:s12], $0x400  }
0x6a: {  	[sflag:s12] =	ssyncset.done $0x0  }
0x6b: {  	[sflag:s12] =	ssyncadd.s32 $0xFFFFFC00  }
0x6c: {  	[tilespmem:s15], [sflag:$0x1] =	stream.indirect.gather [hbm4b:s4+s14], $0x80, s3, s14, $0xb8;
	[tilespmem:$0x18800] =	vst v63  }
0x6d: {  	_ =	swait.ge [sflag:s12], $0x4000  }
0x6e: {  	[sflag:s12] =	ssyncset.done $0x0  }
0x6f: {  	[sflag:s12] =	ssyncadd.s32 $0xFFFFC000  }
0x70: {  	[spmem:s2] =	stream.indirect.scatter.add.f32 [tilespmem:s15], [sflag:$0x1], $0x80, s13, s14, $0xb8;
	[tilespmem:$0x18800] =	vst v63  }
0x71: {  	_ =	swait.ge [sflag:s12], $0x4000  }
0x72: {  	[sflag:s12] =	ssyncset.done $0x0  }
0x73: {  	[sflag:s12] =	ssyncadd.s32 $0xFFFFC000  }
0x74: {  	[tilespmem:s15], [sflag:$0x1] =	stream.indirect.gather [hbm4b:s4+s14], $0x80, s14, s14, $0xb8;
	[tilespmem:$0x18800] =	vst v63  }
0x75: {  	_ =	swait.ge [sflag:s12], $0x4000  }
0x76: {  	[sflag:s12] =	ssyncset.done $0x0  }
0x77: {  	[sflag:s12] =	ssyncadd.s32 $0xFFFFC000  }
0x78: {  	[spmem:s2] =	stream.indirect.scatter.add.f32 [tilespmem:s15], [sflag:$0x1], $0x80, s16, s14, $0xb8;
	[tilespmem:$0x18800] =	vst v63  }
0x79: {  	_ =	swait.ge [sflag:s12], $0x4000  }
0x7a: {  	[sflag:s12] =	ssyncset.done $0x0  }
0x7b: {  	[sflag:s12] =	ssyncadd.s32 $0xFFFFC000  }
0x7c: {  	[tilespmem:s15], [sflag:$0x1] =	stream.indirect.gather [hbm4b:s4+s14], $0x80, s17, s14, $0xb8;
	[tilespmem:$0x18800] =	vst v63  }
0x7d: {  	_ =	swait.ge [sflag:s12], $0x4000  }
0x7e: {  	[sflag:s12] =	ssyncset.done $0x0  }
0x7f: {  	[sflag:s12] =	ssyncadd.s32 $0xFFFFC000  }
0x80: {  	[spmem:s2] =	stream.indirect.scatter.add.f32 [tilespmem:s15], [sflag:$0x1], $0x80, s18, s14, $0xb8;
	[tilespmem:$0x18800] =	vst v63  }
0x81: {  	_ =	swait.ge [sflag:s12], $0x4000  }
0x82: {  	[sflag:s12] =	ssyncset.done $0x0  }
0x83: {  	[sflag:s12] =	ssyncadd.s32 $0xFFFFC000  }
0x84: {  	[tilespmem:s15], [sflag:$0x1] =	stream.indirect.gather [hbm4b:s4+s14], $0x80, s19, s14, $0xb8;
	[tilespmem:$0x18800] =	vst v63  }
0x85: {  	_ =	swait.ge [sflag:s12], $0x4000  }
0x86: {  	[sflag:s12] =	ssyncset.done $0x0  }
0x87: {  	[sflag:s12] =	ssyncadd.s32 $0xFFFFC000  }
0x88: {  	[spmem:s2] =	stream.indirect.scatter.add.f32 [tilespmem:s15], [sflag:$0x1], $0x80, s20, s14, $0xb8;
	[tilespmem:$0x18800] =	vst v63  }
0x89: {  	_ =	swait.ge [sflag:s12], $0x4000  }
0x8a: {  	[sflag:s12] =	ssyncset.done $0x0  }
0x8b: {  	[sflag:s12] =	ssyncadd.s32 $0xFFFFC000  }
0x8c: {  	[tilespmem:s15], [sflag:$0x1] =	stream.indirect.gather [hbm4b:s4+s14], $0x80, s21, s14, $0xb8;
	[tilespmem:$0x18800] =	vst v63  }
0x8d: {  	_ =	swait.ge [sflag:s12], $0x4000  }
0x8e: {  	[sflag:s12] =	ssyncset.done $0x0  }
0x8f: {  	[sflag:s12] =	ssyncadd.s32 $0xFFFFC000  }
0x90: {  	[spmem:s2] =	stream.indirect.scatter.add.f32 [tilespmem:s15], [sflag:$0x1], $0x80, s22, s14, $0xb8;
	[tilespmem:$0x18800] =	vst v63  }
0x91: {  	_ =	swait.ge [sflag:s12], $0x4000  }
0x92: {  	[sflag:s12] =	ssyncset.done $0x0  }
0x93: {  	[sflag:s12] =	ssyncadd.s32 $0xFFFFC000  }
0x94: {  	[tilespmem:s15], [sflag:$0x1] =	stream.indirect.gather [hbm4b:s4+s14], $0x80, s23, s14, $0xb8;
	[tilespmem:$0x18800] =	vst v63  }
0x95: {  	_ =	swait.ge [sflag:s12], $0x4000  }
0x96: {  	[sflag:s12] =	ssyncset.done $0x0  }
0x97: {  	[sflag:s12] =	ssyncadd.s32 $0xFFFFC000  }
0x98: {  	[spmem:s2] =	stream.indirect.scatter.add.f32 [tilespmem:s15], [sflag:$0x1], $0x80, s24, s14, $0xb8;
	[tilespmem:$0x18800] =	vst v63  }
0x99: {  	_ =	swait.ge [sflag:s12], $0x4000  }
0x9a: {  	[sflag:s12] =	ssyncset.done $0x0  }
0x9b: {  	[sflag:s12] =	ssyncadd.s32 $0xFFFFC000  }
0x9c: {  	[tilespmem:s15], [sflag:$0x1] =	stream.indirect.gather [hbm4b:s4+s14], $0x80, s25, s14, $0xb8;
	[tilespmem:$0x18800] =	vst v63  }
0x9d: {  	_ =	swait.ge [sflag:s12], $0x4000  }
0x9e: {  	[sflag:s12] =	ssyncset.done $0x0  }
0x9f: {  	[sflag:s12] =	ssyncadd.s32 $0xFFFFC000  }
0xa0: {  	[spmem:s2] =	stream.indirect.scatter.add.f32 [tilespmem:s15], [sflag:$0x1], $0x80, s26, s14, $0xb8;
	[tilespmem:$0x18800] =	vst v63  }
0xa1: {  	_ =	swait.ge [sflag:s12], $0x4000  }
0xa2: {  	[sflag:s12] =	ssyncset.done $0x0  }
0xa3: {  	[sflag:s12] =	ssyncadd.s32 $0xFFFFC000  }
0xa4: {  	[tilespmem:s15], [sflag:$0x1] =	stream.indirect.gather [hbm4b:s4+s14], $0x80, s28, s14, $0xb8;
	[tilespmem:$0x18800] =	vst v63  }
0xa5: {  	_ =	swait.ge [sflag:s12], $0x4000  }
.Ltmp0:
0xa6: {  	[sflag:s12] =	ssyncset.done $0x0;
	(pc) =	sbr.rel @p0 .LBB2_2-.Ltmp0, $4  }
0xa7: {  	[sflag:s12] =	ssyncadd.s32 $0xFFFFC000  }
0xa8: {  	[spmem:s2] =	stream.indirect.scatter.add.f32 [tilespmem:s15], [sflag:$0x1], $0x80, s29, s14, $0xb8;
	[tilespmem:$0x18800] =	vst v63  }
0xa9: {  	_ =	swait.ge [sflag:s12], $0x4000  }
0xaa: {  	s0 =	smov.u32 s1;
	[sflag:s12] =	ssyncset.done $0x0  }
0xab: {  	s0 =	sadd.s32 s31, s10;
	[sflag:s12] =	ssyncadd.s32 $0xFFFFC000  }
0xac: {  	[tilespmem:s3], [sflag:$0x1] =	stream.linear.gather [hbm4b:s0+s3], $0x400, $0x38;
	[tilespmem:$0x18800] =	vst v63  }
0xad: {  	_ =	swait.ge [sflag:s12], $0x400  }
0xae: {  	[sflag:s12] =	ssyncset.done $0x0  }
0xaf: {  	s7 =	sadd.s32 s31, s9;
	[sflag:s12] =	ssyncadd.s32 $0xFFFFFC00  }
0xb0: {  	[tilespmem:s13], [sflag:$0x1] =	stream.linear.gather [hbm4b:s7+s3], $0x400, $0x38;
	[tilespmem:$0x18800] =	vst v63  }
0xb1: {  	_ =	swait.ge [sflag:s12], $0x400  }
0xb2: {  	[sflag:s12] =	ssyncset.done $0x0  }
0xb3: {  	[sflag:s12] =	ssyncadd.s32 $0xFFFFFC00  }
0xb4: {  	[tilespmem:s15], [sflag:$0x1] =	stream.indirect.gather [hbm4b:s4+s14], $0x80, s3, s14, $0xb8;
	[tilespmem:$0x18800] =	vst v63  }
0xb5: {  	_ =	swait.ge [sflag:s12], $0x4000  }
0xb6: {  	[sflag:s12] =	ssyncset.done $0x0  }
0xb7: {  	[sflag:s12] =	ssyncadd.s32 $0xFFFFC000  }
0xb8: {  	[spmem:s2] =	stream.indirect.scatter.add.f32 [tilespmem:s15], [sflag:$0x1], $0x80, s13, s14, $0xb8;
	[tilespmem:$0x18800] =	vst v63  }
0xb9: {  	_ =	swait.ge [sflag:s12], $0x4000  }
0xba: {  	[sflag:s12] =	ssyncset.done $0x0  }
0xbb: {  	[sflag:s12] =	ssyncadd.s32 $0xFFFFC000  }
0xbc: {  	[tilespmem:s15], [sflag:$0x1] =	stream.indirect.gather [hbm4b:s4+s14], $0x80, s14, s14, $0xb8;
	[tilespmem:$0x18800] =	vst v63  }
0xbd: {  	_ =	swait.ge [sflag:s12], $0x4000  }
0xbe: {  	[sflag:s12] =	ssyncset.done $0x0  }
0xbf: {  	[sflag:s12] =	ssyncadd.s32 $0xFFFFC000  }
0xc0: {  	[spmem:s2] =	stream.indirect.scatter.add.f32 [tilespmem:s15], [sflag:$0x1], $0x80, s16, s14, $0xb8;
	[tilespmem:$0x18800] =	vst v63  }
0xc1: {  	_ =	swait.ge [sflag:s12], $0x4000  }
0xc2: {  	[sflag:s12] =	ssyncset.done $0x0  }
0xc3: {  	[sflag:s12] =	ssyncadd.s32 $0xFFFFC000  }
0xc4: {  	[tilespmem:s15], [sflag:$0x1] =	stream.indirect.gather [hbm4b:s4+s14], $0x80, s17, s14, $0xb8;
	[tilespmem:$0x18800] =	vst v63  }
0xc5: {  	_ =	swait.ge [sflag:s12], $0x4000  }
0xc6: {  	[sflag:s12] =	ssyncset.done $0x0  }
0xc7: {  	[sflag:s12] =	ssyncadd.s32 $0xFFFFC000  }
0xc8: {  	[spmem:s2] =	stream.indirect.scatter.add.f32 [tilespmem:s15], [sflag:$0x1], $0x80, s18, s14, $0xb8;
	[tilespmem:$0x18800] =	vst v63  }
0xc9: {  	_ =	swait.ge [sflag:s12], $0x4000  }
0xca: {  	[sflag:s12] =	ssyncset.done $0x0  }
0xcb: {  	[sflag:s12] =	ssyncadd.s32 $0xFFFFC000  }
0xcc: {  	[tilespmem:s15], [sflag:$0x1] =	stream.indirect.gather [hbm4b:s4+s14], $0x80, s19, s14, $0xb8;
	[tilespmem:$0x18800] =	vst v63  }
0xcd: {  	_ =	swait.ge [sflag:s12], $0x4000  }
0xce: {  	[sflag:s12] =	ssyncset.done $0x0  }
0xcf: {  	[sflag:s12] =	ssyncadd.s32 $0xFFFFC000  }
0xd0: {  	[spmem:s2] =	stream.indirect.scatter.add.f32 [tilespmem:s15], [sflag:$0x1], $0x80, s20, s14, $0xb8;
	[tilespmem:$0x18800] =	vst v63  }
0xd1: {  	_ =	swait.ge [sflag:s12], $0x4000  }
0xd2: {  	[sflag:s12] =	ssyncset.done $0x0  }
0xd3: {  	[sflag:s12] =	ssyncadd.s32 $0xFFFFC000  }
0xd4: {  	[tilespmem:s15], [sflag:$0x1] =	stream.indirect.gather [hbm4b:s4+s14], $0x80, s21, s14, $0xb8;
	[tilespmem:$0x18800] =	vst v63  }
0xd5: {  	_ =	swait.ge [sflag:s12], $0x4000  }
0xd6: {  	[sflag:s12] =	ssyncset.done $0x0  }
0xd7: {  	[sflag:s12] =	ssyncadd.s32 $0xFFFFC000  }
0xd8: {  	[spmem:s2] =	stream.indirect.scatter.add.f32 [tilespmem:s15], [sflag:$0x1], $0x80, s22, s14, $0xb8;
	[tilespmem:$0x18800] =	vst v63  }
0xd9: {  	_ =	swait.ge [sflag:s12], $0x4000  }
0xda: {  	[sflag:s12] =	ssyncset.done $0x0  }
0xdb: {  	[sflag:s12] =	ssyncadd.s32 $0xFFFFC000  }
0xdc: {  	[tilespmem:s15], [sflag:$0x1] =	stream.indirect.gather [hbm4b:s4+s14], $0x80, s23, s14, $0xb8;
	[tilespmem:$0x18800] =	vst v63  }
0xdd: {  	_ =	swait.ge [sflag:s12], $0x4000  }
0xde: {  	[sflag:s12] =	ssyncset.done $0x0  }
0xdf: {  	[sflag:s12] =	ssyncadd.s32 $0xFFFFC000  }
0xe0: {  	[spmem:s2] =	stream.indirect.scatter.add.f32 [tilespmem:s15], [sflag:$0x1], $0x80, s24, s14, $0xb8;
	[tilespmem:$0x18800] =	vst v63  }
0xe1: {  	_ =	swait.ge [sflag:s12], $0x4000  }
0xe2: {  	[sflag:s12] =	ssyncset.done $0x0  }
0xe3: {  	[sflag:s12] =	ssyncadd.s32 $0xFFFFC000  }
0xe4: {  	[tilespmem:s15], [sflag:$0x1] =	stream.indirect.gather [hbm4b:s4+s14], $0x80, s25, s14, $0xb8;
	[tilespmem:$0x18800] =	vst v63  }
0xe5: {  	_ =	swait.ge [sflag:s12], $0x4000  }
0xe6: {  	[sflag:s12] =	ssyncset.done $0x0  }
0xe7: {  	[sflag:s12] =	ssyncadd.s32 $0xFFFFC000  }
0xe8: {  	[spmem:s2] =	stream.indirect.scatter.add.f32 [tilespmem:s15], [sflag:$0x1], $0x80, s26, s14, $0xb8;
	[tilespmem:$0x18800] =	vst v63  }
0xe9: {  	_ =	swait.ge [sflag:s12], $0x4000  }
0xea: {  	[sflag:s12] =	ssyncset.done $0x0  }
0xeb: {  	[sflag:s12] =	ssyncadd.s32 $0xFFFFC000  }
0xec: {  	[tilespmem:s15], [sflag:$0x1] =	stream.indirect.gather [hbm4b:s4+s14], $0x80, s28, s14, $0xb8;
	[tilespmem:$0x18800] =	vst v63  }
0xed: {  	_ =	swait.ge [sflag:s12], $0x4000  }
0xee: {  	[sflag:s12] =	ssyncset.done $0x0  }
0xef: {  	[sflag:s12] =	ssyncadd.s32 $0xFFFFC000  }
0xf0: {  	[spmem:s2] =	stream.indirect.scatter.add.f32 [tilespmem:s15], [sflag:$0x1], $0x80, s29, s14, $0xb8;
	[tilespmem:$0x18800] =	vst v63  }
0xf1: {  	_ =	swait.ge [sflag:s12], $0x4000  }
0xf2: {  	[sflag:s12] =	ssyncset.done $0x0  }
0xf3: {  	[sflag:s12] =	ssyncadd.s32 $0xFFFFC000  }
0xf4: {  	[bflag:$0x0] =	sbarrier.arrive $0xFFFF  }
0xf5: {  	[hbm:s8], [sflag:s6] =	dma.local [spmem:s11], $0x2800  }
0xf6: {  	_ =	swait.ge [sflag:s12], $0x2800  }
0xf7: {  	s30 =	sadd.s32 $0x1, s30;
	s31 =	rddreg [dreg:$0x5]  }
0xf8: {  	p0 =	sne.s32 s30, s31  }
.Ltmp1:
0xf9: {  	_ = 	snop;
	(pc) =	sbr.rel @p0 .LBB2_1-.Ltmp1, $3  }
0xfa: {  	_ =	sdelay $0x1  }
0xfb: {  	[sflag:s12] =	ssyncset.done $0x0  }
0xfc: {  	[sflag:s12] =	ssyncadd.s32 $0xFFFFD800  }
0xfd: {  	_ =	sfence.sel $0x180000  }
0xfe: {  	[bflag:$0x0] =	sbarrier.arrive $0xFFFF  }
0xff: {  	_ =	strace $0x90000050  }
0x100: {  	s0 =	stileid.u32;
	[bflag:$0x2] =	sbarrier.arrive $0xFFFF  }
0x101: {  	p0 =	sne.s32 s0, $0x0;
	s0 =	rddreg [dreg:$0x3]  }
0x102: {  	s0 =	sadd.s32 @!p0 $0x100000, s0  }
0x103: {  	[sflag:s0] =	ssyncadd.tile.s32 @!p0 $0x1;
	_ =	shalt  }
.Lfunc_end2:
_tile_overlayer_lowered:
.L_overlay_start_2:
0x104: {  	(tag) =	ssettag $0x2  }
0x105: {  	s0 =	rddreg [dreg:$0x0];
	s2 =	stileid.u32  }
0x106: {  	s1 =	rddreg [dreg:$0x1];
	p0 =	sne.s32 s2, $0x0  }
0x107: {  	s3 =	rddreg [dreg:$0x2];
	[bflag:$0x3] =	sbarrier.arrive $0xFFFF;
	s2 =	simm.s32 @!p0 $0x1C01  }
0x108: {  	[timem:s3], [sflag:s2] =	dma.local @!p0 [hbm:s0], s1  }
0x109: {  	s0 =	simm.s32 @!p0 $0x1  }
0x10a: {  	_ =	swait.ge @!p0 [sflag:s0], s1  }
0x10b: {  	s1 =	ssub.s32 @!p0 $0x0, s1;
	[sflag:s0] =	ssyncset.done @!p0 $0x0  }
0x10c: {  	[sflag:s0] =	ssyncadd.s32 @!p0 s1  }
0x10d: {  	[bflag:$0x3] =	sbarrier.arrive $0xFFFF  }
0x10e: {  	_ =	shalt  }

</sc_bundles>
